<compile_context>
chip_gen: v7x
topology: tpu7x:2x2x1
jax: 0.10.2.dev20260603
libtpu: 0.0.44.dev20260713+nightly
codegen_flags: <defaults>
</compile_context>

<pallas_src>
import functools

import jax
import jax.numpy as jnp
from jax import lax
from jax.experimental import pallas as pl
from jax.experimental.pallas import tpu as pltpu
from jax.experimental.pallas import tpu_sc as plsc

EMB = 512
BATCH = 32
SEQ = 1024
NC = 2
NS = 16
NW = NC * NS
CHUNK = 32
N_CHUNK = SEQ // CHUNK
NBUF = 4

_mesh = plsc.VectorSubcoreMesh(core_axis_name="c", subcore_axis_name="s")


@functools.partial(
    pl.kernel,
    mesh=_mesh,
    out_type=jax.ShapeDtypeStruct((BATCH, SEQ, EMB), jnp.float32),
    scratch_types=[
        pltpu.VMEM((SEQ,), jnp.int32),
        pltpu.VMEM((NBUF, CHUNK, EMB), jnp.float32),
        pltpu.SemaphoreType.DMA((NBUF,)),
        pltpu.SemaphoreType.DMA((NBUF,)),
    ],
)
def _emb_lookup(idx_hbm, table_hbm, out_hbm, idx_v, rows_v, gsem, wsem):
    wid = lax.axis_index("s") * NC + lax.axis_index("c")
    my_out = out_hbm.at[wid]
    pltpu.sync_copy(idx_hbm.at[wid], idx_v)

    def gather(i, b):
        return pltpu.async_copy(
            table_hbm.at[idx_v.at[pl.ds(i * CHUNK, CHUNK)]],
            rows_v.at[b], gsem.at[b])

    def writeback(i, b):
        return pltpu.async_copy(
            rows_v.at[b], my_out.at[pl.ds(i * CHUNK, CHUNK)], wsem.at[b])

    gather(0, 0)
    gather(1, 1)

    def body(o, carry):
        i0 = o * NBUF
        for b in range(NBUF):
            i = i0 + b
            pltpu.make_async_copy(
                table_hbm.at[idx_v.at[pl.ds(i * CHUNK, CHUNK)]],
                rows_v.at[b], gsem.at[b]).wait()
            writeback(i, b)

            @pl.when(i + 2 < N_CHUNK)
            def _():
                bn = (b + 2) % NBUF

                @pl.when(i >= 2)
                def _():
                    pltpu.make_async_copy(
                        rows_v.at[bn],
                        my_out.at[pl.ds((i - 2) * CHUNK, CHUNK)],
                        wsem.at[bn]).wait()

                gather(i + 2, bn)
        return carry

    lax.fori_loop(0, N_CHUNK // NBUF, body, 0)
    for i in range(N_CHUNK - NBUF, N_CHUNK):
        pltpu.make_async_copy(
            rows_v.at[i % NBUF],
            my_out.at[pl.ds(i * CHUNK, CHUNK)],
            wsem.at[i % NBUF]).wait()


def kernel(x, table):
    return _emb_lookup(x.astype(jnp.int32), table)

# --- scband reference (transcript-rebuilt; emitter-appended) ---
"""Pipeline reference for scband-embedding-10264971837874 (READ-ONLY COPY).

The authoritative reference and input builder live on the scoring server;
editing this copy changes nothing except your own understanding.
"""

import jax, jax.numpy as jnp
import numpy as np

VOCAB = 50257
EMB = 512
BATCH = 32
SEQ = 1024

def setup_inputs(seed: int = 0) -> dict:
    key = jax.random.key(seed)
    k_idx, k_tab = jax.random.split(key)
    x = jax.random.randint(k_idx, (BATCH, SEQ), 0, VOCAB, dtype=jnp.int64 if jax.config.jax_enable_x64 else jnp.int32)
    table = jax.random.normal(k_tab, (VOCAB, EMB), dtype=jnp.float32)
    return {"x": x, "table": table}

def reference(x, table):
    # nn.Embedding forward: gather rows of the embedding table by token id
    out = jnp.take(table, x, axis=0)
    return out

if __name__ == "__main__":
    import jax
    _d = setup_inputs()
    print(jax.jit(kernel)(*tuple(_d.values())))

</pallas_src>

<mosaic_0001>
#map = affine_map<(d0, d1) -> (0, 0)>
#map1 = affine_map<(d0, d1) -> (0, 0, 0)>
module attributes {stable_mosaic.version = 14 : i64} {
  func.func @_emb_lookup(%arg0: i32, %arg1: i32, %arg2: memref<32x1024xi32, #tpu.memory_space<hbm>>, %arg3: memref<50257x512xf32, #tpu.memory_space<hbm>>, %arg4: memref<32x1024x512xf32, #tpu.memory_space<hbm>>, %arg5: memref<1024xi32, #tpu.memory_space<vmem>>, %arg6: memref<4x32x512xf32, #tpu.memory_space<vmem>>, %arg7: memref<4x!tpu.dma_semaphore, #tpu.memory_space<semaphore_mem>>, %arg8: memref<4x!tpu.dma_semaphore, #tpu.memory_space<semaphore_mem>>) attributes {dimension_semantics = [#tpu.dimension_semantics<core_parallel>, #tpu.dimension_semantics<subcore_parallel>], iteration_bounds = array<i64: 2, 16>, scalar_prefetch = 0 : i64, scratch_operands = 4 : i64, tpu.core_type = #tpu.core_type<sc_vector_subcore>, window_params = [{transform_indices = #map}, {transform_indices = #map}, {transform_indices = #map1}]} {
    %mul3A = arith.constant 2 : i32
    %mul3A_0 = arith.muli %arg1, %mul3A : i32
    %add3A = arith.addi %mul3A_0, %arg0 : i32
    "tpu.region"() ({
      %run_scoped3A = tpu.sem_alloc : memref<!tpu.dma_semaphore, #tpu.memory_space<semaphore_mem>>
      %dma_start3A_134 = arith.constant 0 : i32
      %dma_start3A_135 = tpu.memref_slice %arg2[%add3A, %dma_start3A_134] : memref<32x1024xi32, #tpu.memory_space<hbm>> -> memref<1x1024xi32, #tpu.memory_space<hbm>>
      %dma_start3A_136 = tpu.memref_squeeze %dma_start3A_135 : memref<1x1024xi32, #tpu.memory_space<hbm>> -> memref<1024xi32, #tpu.memory_space<hbm>>
      %dma_start3A_137 = arith.constant 0 : i32
      %dma_start3A_138 = tpu.memref_slice %arg2[%add3A, %dma_start3A_137] : memref<32x1024xi32, #tpu.memory_space<hbm>> -> memref<1x1024xi32, #tpu.memory_space<hbm>>
      %dma_start3A_139 = tpu.memref_squeeze %dma_start3A_138 : memref<1x1024xi32, #tpu.memory_space<hbm>> -> memref<1024xi32, #tpu.memory_space<hbm>>
      tpu.enqueue_dma source(%dma_start3A_139 : memref<1024xi32, #tpu.memory_space<hbm>>) target(%arg5 : memref<1024xi32, #tpu.memory_space<vmem>>) target_semaphore(%run_scoped3A : memref<!tpu.dma_semaphore, #tpu.memory_space<semaphore_mem>>)
      %dma_wait3A_140 = arith.constant 0 : i32
      %dma_wait3A_141 = tpu.memref_slice %arg2[%add3A, %dma_wait3A_140] : memref<32x1024xi32, #tpu.memory_space<hbm>> -> memref<1x1024xi32, #tpu.memory_space<hbm>>
      %dma_wait3A_142 = tpu.memref_squeeze %dma_wait3A_141 : memref<1x1024xi32, #tpu.memory_space<hbm>> -> memref<1024xi32, #tpu.memory_space<hbm>>
      %dma_wait3A_143 = arith.constant 0 : i32
      %dma_wait3A_144 = tpu.memref_slice %arg2[%add3A, %dma_wait3A_143] : memref<32x1024xi32, #tpu.memory_space<hbm>> -> memref<1x1024xi32, #tpu.memory_space<hbm>>
      %dma_wait3A_145 = tpu.memref_squeeze %dma_wait3A_144 : memref<1x1024xi32, #tpu.memory_space<hbm>> -> memref<1024xi32, #tpu.memory_space<hbm>>
      tpu.wait_dma2 semaphore(%run_scoped3A : memref<!tpu.dma_semaphore, #tpu.memory_space<semaphore_mem>>) src(%dma_wait3A_145 : memref<1024xi32, #tpu.memory_space<hbm>>) dst(%arg5 : memref<1024xi32, #tpu.memory_space<vmem>>)
      tpu.yield
    }) : () -> ()
    %dma_start3A = arith.constant 0 : i32
    %dma_start3A_1 = arith.constant 0 : i32
    %dma_start3A_2 = arith.constant 0 : i32
    %dma_start3A_3 = arith.constant 0 : i32
    %dma_start3A_4 = tpu.memref_slice %arg6[%dma_start3A, %dma_start3A_2, %dma_start3A_3] : memref<4x32x512xf32, #tpu.memory_space<vmem>> -> memref<1x32x512xf32, #tpu.memory_space<vmem>>
    %dma_start3A_5 = tpu.memref_squeeze %dma_start3A_4 : memref<1x32x512xf32, #tpu.memory_space<vmem>> -> memref<32x512xf32, #tpu.memory_space<vmem>>
    %dma_start3A_6 = arith.constant 0 : i32
    %dma_start3A_7 = tpu.memref_slice %arg5[%dma_start3A_6] : memref<1024xi32, #tpu.memory_space<vmem>> -> memref<32xi32, #tpu.memory_space<vmem>>
    %dma_start3A_8 = arith.constant 0 : i32
    %dma_start3A_9 = arith.constant 0 : i32
    %dma_start3A_10 = tpu.memref_slice %arg3[%dma_start3A_8, %dma_start3A_9] : memref<50257x512xf32, #tpu.memory_space<hbm>> -> memref<50257x512xf32, #tpu.memory_space<hbm>>
    %dma_start3A_11 = tpu.memref_slice %arg7[%dma_start3A_1] : memref<4x!tpu.dma_semaphore, #tpu.memory_space<semaphore_mem>> -> memref<1x!tpu.dma_semaphore, #tpu.memory_space<semaphore_mem>>
    %dma_start3A_12 = tpu.memref_squeeze %dma_start3A_11 : memref<1x!tpu.dma_semaphore, #tpu.memory_space<semaphore_mem>> -> memref<!tpu.dma_semaphore, #tpu.memory_space<semaphore_mem>>
    tpu.enqueue_indirect_dma source(%dma_start3A_10 : memref<50257x512xf32, #tpu.memory_space<hbm>>) target(%dma_start3A_5 : memref<32x512xf32, #tpu.memory_space<vmem>>) offsets(%dma_start3A_7 : memref<32xi32, #tpu.memory_space<vmem>>) semaphore(%dma_start3A_12 : memref<!tpu.dma_semaphore, #tpu.memory_space<semaphore_mem>>)
    %dma_start3A_13 = arith.constant 1 : i32
    %dma_start3A_14 = arith.constant 1 : i32
    %dma_start3A_15 = arith.constant 0 : i32
    %dma_start3A_16 = arith.constant 0 : i32
    %dma_start3A_17 = tpu.memref_slice %arg6[%dma_start3A_13, %dma_start3A_15, %dma_start3A_16] : memref<4x32x512xf32, #tpu.memory_space<vmem>> -> memref<1x32x512xf32, #tpu.memory_space<vmem>>
    %dma_start3A_18 = tpu.memref_squeeze %dma_start3A_17 : memref<1x32x512xf32, #tpu.memory_space<vmem>> -> memref<32x512xf32, #tpu.memory_space<vmem>>
    %dma_start3A_19 = arith.constant 32 : i32
    %dma_start3A_20 = tpu.memref_slice %arg5[%dma_start3A_19] : memref<1024xi32, #tpu.memory_space<vmem>> -> memref<32xi32, #tpu.memory_space<vmem>>
    %dma_start3A_21 = arith.constant 0 : i32
    %dma_start3A_22 = arith.constant 0 : i32
    %dma_start3A_23 = tpu.memref_slice %arg3[%dma_start3A_21, %dma_start3A_22] : memref<50257x512xf32, #tpu.memory_space<hbm>> -> memref<50257x512xf32, #tpu.memory_space<hbm>>
    %dma_start3A_24 = tpu.memref_slice %arg7[%dma_start3A_14] : memref<4x!tpu.dma_semaphore, #tpu.memory_space<semaphore_mem>> -> memref<1x!tpu.dma_semaphore, #tpu.memory_space<semaphore_mem>>
    %dma_start3A_25 = tpu.memref_squeeze %dma_start3A_24 : memref<1x!tpu.dma_semaphore, #tpu.memory_space<semaphore_mem>> -> memref<!tpu.dma_semaphore, #tpu.memory_space<semaphore_mem>>
    tpu.enqueue_indirect_dma source(%dma_start3A_23 : memref<50257x512xf32, #tpu.memory_space<hbm>>) target(%dma_start3A_18 : memref<32x512xf32, #tpu.memory_space<vmem>>) offsets(%dma_start3A_20 : memref<32xi32, #tpu.memory_space<vmem>>) semaphore(%dma_start3A_25 : memref<!tpu.dma_semaphore, #tpu.memory_space<semaphore_mem>>)
    %scan3A = arith.constant 0 : i32
    %scan3A_26 = arith.constant 0 : i32
    %scan3A_27 = arith.constant 8 : i32
    %scan3A_28 = arith.addi %scan3A_26, %scan3A_27 : i32
    %scan3A_29 = arith.constant 1 : i32
    scf.for %scan3A_134 = %scan3A_26 to %scan3A_28 step %scan3A_29  : i32 {
      %mul3A_135 = arith.constant 4 : i32
      %mul3A_136 = arith.muli %scan3A_134, %mul3A_135 : i32
      %add3A_137 = arith.constant 0 : i32
      %add3A_138 = arith.addi %mul3A_136, %add3A_137 : i32
      %mul3A_139 = arith.constant 32 : i32
      %mul3A_140 = arith.muli %add3A_138, %mul3A_139 : i32
      %dma_wait3A_141 = arith.constant 0 : i32
      %dma_wait3A_142 = arith.constant 0 : i32
      %dma_wait3A_143 = arith.constant 0 : i32
      %dma_wait3A_144 = arith.constant 0 : i32
      %dma_wait3A_145 = tpu.memref_slice %arg6[%dma_wait3A_141, %dma_wait3A_143, %dma_wait3A_144] : memref<4x32x512xf32, #tpu.memory_space<vmem>> -> memref<1x32x512xf32, #tpu.memory_space<vmem>>
      %dma_wait3A_146 = tpu.memref_squeeze %dma_wait3A_145 : memref<1x32x512xf32, #tpu.memory_space<vmem>> -> memref<32x512xf32, #tpu.memory_space<vmem>>
      %dma_wait3A_147 = tpu.memref_slice %arg5[%mul3A_140] : memref<1024xi32, #tpu.memory_space<vmem>> -> memref<32xi32, #tpu.memory_space<vmem>>
      %dma_wait3A_148 = arith.constant 0 : i32
      %dma_wait3A_149 = arith.constant 0 : i32
      %dma_wait3A_150 = tpu.memref_slice %arg3[%dma_wait3A_148, %dma_wait3A_149] : memref<50257x512xf32, #tpu.memory_space<hbm>> -> memref<50257x512xf32, #tpu.memory_space<hbm>>
      %dma_wait3A_151 = tpu.memref_slice %arg7[%dma_wait3A_142] : memref<4x!tpu.dma_semaphore, #tpu.memory_space<semaphore_mem>> -> memref<1x!tpu.dma_semaphore, #tpu.memory_space<semaphore_mem>>
      %dma_wait3A_152 = tpu.memref_squeeze %dma_wait3A_151 : memref<1x!tpu.dma_semaphore, #tpu.memory_space<semaphore_mem>> -> memref<!tpu.dma_semaphore, #tpu.memory_space<semaphore_mem>>
      tpu.wait_indirect_dma semaphore(%dma_wait3A_152 : memref<!tpu.dma_semaphore, #tpu.memory_space<semaphore_mem>>) src(%dma_wait3A_150 : memref<50257x512xf32, #tpu.memory_space<hbm>>) dst(%dma_wait3A_146 : memref<32x512xf32, #tpu.memory_space<vmem>>)
      %mul3A_153 = arith.constant 32 : i32
      %mul3A_154 = arith.muli %add3A_138, %mul3A_153 : i32
      %dma_start3A_155 = arith.constant 0 : i32
      %dma_start3A_156 = arith.constant 0 : i32
      %dma_start3A_157 = arith.constant 0 : i32
      %dma_start3A_158 = arith.constant 0 : i32
      %dma_start3A_159 = tpu.memref_slice %arg6[%dma_start3A_155, %dma_start3A_157, %dma_start3A_158] : memref<4x32x512xf32, #tpu.memory_space<vmem>> -> memref<1x32x512xf32, #tpu.memory_space<vmem>>
      %dma_start3A_160 = tpu.memref_squeeze %dma_start3A_159 : memref<1x32x512xf32, #tpu.memory_space<vmem>> -> memref<32x512xf32, #tpu.memory_space<vmem>>
      %dma_start3A_161 = arith.constant 0 : i32
      %dma_start3A_162 = arith.constant 0 : i32
      %dma_start3A_163 = tpu.memref_slice %arg4[%add3A, %dma_start3A_161, %dma_start3A_162] : memref<32x1024x512xf32, #tpu.memory_space<hbm>> -> memref<1x1024x512xf32, #tpu.memory_space<hbm>>
      %dma_start3A_164 = tpu.memref_squeeze %dma_start3A_163 : memref<1x1024x512xf32, #tpu.memory_space<hbm>> -> memref<1024x512xf32, #tpu.memory_space<hbm>>
      %dma_start3A_165 = arith.constant 0 : i32
      %dma_start3A_166 = tpu.memref_slice %dma_start3A_164[%mul3A_154, %dma_start3A_165] : memref<1024x512xf32, #tpu.memory_space<hbm>> -> memref<32x512xf32, #tpu.memory_space<hbm>>
      %dma_start3A_167 = tpu.memref_slice %arg8[%dma_start3A_156] : memref<4x!tpu.dma_semaphore, #tpu.memory_space<semaphore_mem>> -> memref<1x!tpu.dma_semaphore, #tpu.memory_space<semaphore_mem>>
      %dma_start3A_168 = tpu.memref_squeeze %dma_start3A_167 : memref<1x!tpu.dma_semaphore, #tpu.memory_space<semaphore_mem>> -> memref<!tpu.dma_semaphore, #tpu.memory_space<semaphore_mem>>
      %dma_start3A_169 = arith.constant 0 : i32
      %dma_start3A_170 = arith.constant 0 : i32
      %dma_start3A_171 = tpu.memref_slice %arg4[%add3A, %dma_start3A_169, %dma_start3A_170] : memref<32x1024x512xf32, #tpu.memory_space<hbm>> -> memref<1x1024x512xf32, #tpu.memory_space<hbm>>
      %dma_start3A_172 = tpu.memref_squeeze %dma_start3A_171 : memref<1x1024x512xf32, #tpu.memory_space<hbm>> -> memref<1024x512xf32, #tpu.memory_space<hbm>>
      %dma_start3A_173 = arith.constant 0 : i32
      %dma_start3A_174 = tpu.memref_slice %dma_start3A_172[%mul3A_154, %dma_start3A_173] : memref<1024x512xf32, #tpu.memory_space<hbm>> -> memref<32x512xf32, #tpu.memory_space<hbm>>
      %dma_start3A_175 = arith.constant 0 : i32
      %dma_start3A_176 = arith.constant 0 : i32
      %dma_start3A_177 = tpu.memref_slice %arg6[%dma_start3A_155, %dma_start3A_175, %dma_start3A_176] : memref<4x32x512xf32, #tpu.memory_space<vmem>> -> memref<1x32x512xf32, #tpu.memory_space<vmem>>
      %dma_start3A_178 = tpu.memref_squeeze %dma_start3A_177 : memref<1x32x512xf32, #tpu.memory_space<vmem>> -> memref<32x512xf32, #tpu.memory_space<vmem>>
      tpu.enqueue_dma source(%dma_start3A_178 : memref<32x512xf32, #tpu.memory_space<vmem>>) target(%dma_start3A_174 : memref<32x512xf32, #tpu.memory_space<hbm>>) target_semaphore(%dma_start3A_168 : memref<!tpu.dma_semaphore, #tpu.memory_space<semaphore_mem>>)
      %add3A_179 = arith.constant 2 : i32
      %add3A_180 = arith.addi %add3A_138, %add3A_179 : i32
      %lt3A = arith.constant 32 : i32
      %lt3A_181 = arith.cmpi slt, %add3A_180, %lt3A : i32
      %convert_element_type3A = arith.extui %lt3A_181 : i1 to i32
      %cond3A = arith.constant 0 : i32
      %cond3A_182 = arith.cmpi ne, %convert_element_type3A, %cond3A : i32
      scf.if %cond3A_182 {
        %ge3A = arith.constant 2 : i32
        %ge3A_330 = arith.cmpi sge, %add3A_138, %ge3A : i32
        %convert_element_type3A_331 = arith.extui %ge3A_330 : i1 to i32
        %cond3A_332 = arith.constant 0 : i32
        %cond3A_333 = arith.cmpi ne, %convert_element_type3A_331, %cond3A_332 : i32
        scf.if %cond3A_333 {
          %sub3A = arith.constant 2 : i32
          %sub3A_350 = arith.subi %add3A_138, %sub3A : i32
          %mul3A_351 = arith.constant 32 : i32
          %mul3A_352 = arith.muli %sub3A_350, %mul3A_351 : i32
          %dma_wait3A_353 = arith.constant 2 : i32
          %dma_wait3A_354 = arith.constant 2 : i32
          %dma_wait3A_355 = arith.constant 0 : i32
          %dma_wait3A_356 = arith.constant 0 : i32
          %dma_wait3A_357 = tpu.memref_slice %arg6[%dma_wait3A_353, %dma_wait3A_355, %dma_wait3A_356] : memref<4x32x512xf32, #tpu.memory_space<vmem>> -> memref<1x32x512xf32, #tpu.memory_space<vmem>>
          %dma_wait3A_358 = tpu.memref_squeeze %dma_wait3A_357 : memref<1x32x512xf32, #tpu.memory_space<vmem>> -> memref<32x512xf32, #tpu.memory_space<vmem>>
          %dma_wait3A_359 = arith.constant 0 : i32
          %dma_wait3A_360 = arith.constant 0 : i32
          %dma_wait3A_361 = tpu.memref_slice %arg4[%add3A, %dma_wait3A_359, %dma_wait3A_360] : memref<32x1024x512xf32, #tpu.memory_space<hbm>> -> memref<1x1024x512xf32, #tpu.memory_space<hbm>>
          %dma_wait3A_362 = tpu.memref_squeeze %dma_wait3A_361 : memref<1x1024x512xf32, #tpu.memory_space<hbm>> -> memref<1024x512xf32, #tpu.memory_space<hbm>>
          %dma_wait3A_363 = arith.constant 0 : i32
          %dma_wait3A_364 = tpu.memref_slice %dma_wait3A_362[%mul3A_352, %dma_wait3A_363] : memref<1024x512xf32, #tpu.memory_space<hbm>> -> memref<32x512xf32, #tpu.memory_space<hbm>>
          %dma_wait3A_365 = tpu.memref_slice %arg8[%dma_wait3A_354] : memref<4x!tpu.dma_semaphore, #tpu.memory_space<semaphore_mem>> -> memref<1x!tpu.dma_semaphore, #tpu.memory_space<semaphore_mem>>
          %dma_wait3A_366 = tpu.memref_squeeze %dma_wait3A_365 : memref<1x!tpu.dma_semaphore, #tpu.memory_space<semaphore_mem>> -> memref<!tpu.dma_semaphore, #tpu.memory_space<semaphore_mem>>
          %dma_wait3A_367 = arith.constant 0 : i32
          %dma_wait3A_368 = arith.constant 0 : i32
          %dma_wait3A_369 = tpu.memref_slice %arg4[%add3A, %dma_wait3A_367, %dma_wait3A_368] : memref<32x1024x512xf32, #tpu.memory_space<hbm>> -> memref<1x1024x512xf32, #tpu.memory_space<hbm>>
          %dma_wait3A_370 = tpu.memref_squeeze %dma_wait3A_369 : memref<1x1024x512xf32, #tpu.memory_space<hbm>> -> memref<1024x512xf32, #tpu.memory_space<hbm>>
          %dma_wait3A_371 = arith.constant 0 : i32
          %dma_wait3A_372 = tpu.memref_slice %dma_wait3A_370[%mul3A_352, %dma_wait3A_371] : memref<1024x512xf32, #tpu.memory_space<hbm>> -> memref<32x512xf32, #tpu.memory_space<hbm>>
          %dma_wait3A_373 = arith.constant 0 : i32
          %dma_wait3A_374 = arith.constant 0 : i32
          %dma_wait3A_375 = tpu.memref_slice %arg6[%dma_wait3A_353, %dma_wait3A_373, %dma_wait3A_374] : memref<4x32x512xf32, #tpu.memory_space<vmem>> -> memref<1x32x512xf32, #tpu.memory_space<vmem>>
          %dma_wait3A_376 = tpu.memref_squeeze %dma_wait3A_375 : memref<1x32x512xf32, #tpu.memory_space<vmem>> -> memref<32x512xf32, #tpu.memory_space<vmem>>
          tpu.wait_dma2 semaphore(%dma_wait3A_366 : memref<!tpu.dma_semaphore, #tpu.memory_space<semaphore_mem>>) src(%dma_wait3A_376 : memref<32x512xf32, #tpu.memory_space<vmem>>) dst(%dma_wait3A_372 : memref<32x512xf32, #tpu.memory_space<hbm>>)
        } else {
        }
        %add3A_334 = arith.constant 2 : i32
        %add3A_335 = arith.addi %add3A_138, %add3A_334 : i32
        %mul3A_336 = arith.constant 32 : i32
        %mul3A_337 = arith.muli %add3A_335, %mul3A_336 : i32
        %dma_start3A_338 = arith.constant 2 : i32
        %dma_start3A_339 = arith.constant 2 : i32
        %dma_start3A_340 = arith.constant 0 : i32
        %dma_start3A_341 = arith.constant 0 : i32
        %dma_start3A_342 = tpu.memref_slice %arg6[%dma_start3A_338, %dma_start3A_340, %dma_start3A_341] : memref<4x32x512xf32, #tpu.memory_space<vmem>> -> memref<1x32x512xf32, #tpu.memory_space<vmem>>
        %dma_start3A_343 = tpu.memref_squeeze %dma_start3A_342 : memref<1x32x512xf32, #tpu.memory_space<vmem>> -> memref<32x512xf32, #tpu.memory_space<vmem>>
        %dma_start3A_344 = tpu.memref_slice %arg5[%mul3A_337] : memref<1024xi32, #tpu.memory_space<vmem>> -> memref<32xi32, #tpu.memory_space<vmem>>
        %dma_start3A_345 = arith.constant 0 : i32
        %dma_start3A_346 = arith.constant 0 : i32
        %dma_start3A_347 = tpu.memref_slice %arg3[%dma_start3A_345, %dma_start3A_346] : memref<50257x512xf32, #tpu.memory_space<hbm>> -> memref<50257x512xf32, #tpu.memory_space<hbm>>
        %dma_start3A_348 = tpu.memref_slice %arg7[%dma_start3A_339] : memref<4x!tpu.dma_semaphore, #tpu.memory_space<semaphore_mem>> -> memref<1x!tpu.dma_semaphore, #tpu.memory_space<semaphore_mem>>
        %dma_start3A_349 = tpu.memref_squeeze %dma_start3A_348 : memref<1x!tpu.dma_semaphore, #tpu.memory_space<semaphore_mem>> -> memref<!tpu.dma_semaphore, #tpu.memory_space<semaphore_mem>>
        tpu.enqueue_indirect_dma source(%dma_start3A_347 : memref<50257x512xf32, #tpu.memory_space<hbm>>) target(%dma_start3A_343 : memref<32x512xf32, #tpu.memory_space<vmem>>) offsets(%dma_start3A_344 : memref<32xi32, #tpu.memory_space<vmem>>) semaphore(%dma_start3A_349 : memref<!tpu.dma_semaphore, #tpu.memory_space<semaphore_mem>>)
      } else {
      }
      %add3A_183 = arith.constant 1 : i32
      %add3A_184 = arith.addi %mul3A_136, %add3A_183 : i32
      %mul3A_185 = arith.constant 32 : i32
      %mul3A_186 = arith.muli %add3A_184, %mul3A_185 : i32
      %dma_wait3A_187 = arith.constant 1 : i32
      %dma_wait3A_188 = arith.constant 1 : i32
      %dma_wait3A_189 = arith.constant 0 : i32
      %dma_wait3A_190 = arith.constant 0 : i32
      %dma_wait3A_191 = tpu.memref_slice %arg6[%dma_wait3A_187, %dma_wait3A_189, %dma_wait3A_190] : memref<4x32x512xf32, #tpu.memory_space<vmem>> -> memref<1x32x512xf32, #tpu.memory_space<vmem>>
      %dma_wait3A_192 = tpu.memref_squeeze %dma_wait3A_191 : memref<1x32x512xf32, #tpu.memory_space<vmem>> -> memref<32x512xf32, #tpu.memory_space<vmem>>
      %dma_wait3A_193 = tpu.memref_slice %arg5[%mul3A_186] : memref<1024xi32, #tpu.memory_space<vmem>> -> memref<32xi32, #tpu.memory_space<vmem>>
      %dma_wait3A_194 = arith.constant 0 : i32
      %dma_wait3A_195 = arith.constant 0 : i32
      %dma_wait3A_196 = tpu.memref_slice %arg3[%dma_wait3A_194, %dma_wait3A_195] : memref<50257x512xf32, #tpu.memory_space<hbm>> -> memref<50257x512xf32, #tpu.memory_space<hbm>>
      %dma_wait3A_197 = tpu.memref_slice %arg7[%dma_wait3A_188] : memref<4x!tpu.dma_semaphore, #tpu.memory_space<semaphore_mem>> -> memref<1x!tpu.dma_semaphore, #tpu.memory_space<semaphore_mem>>
      %dma_wait3A_198 = tpu.memref_squeeze %dma_wait3A_197 : memref<1x!tpu.dma_semaphore, #tpu.memory_space<semaphore_mem>> -> memref<!tpu.dma_semaphore, #tpu.memory_space<semaphore_mem>>
      tpu.wait_indirect_dma semaphore(%dma_wait3A_198 : memref<!tpu.dma_semaphore, #tpu.memory_space<semaphore_mem>>) src(%dma_wait3A_196 : memref<50257x512xf32, #tpu.memory_space<hbm>>) dst(%dma_wait3A_192 : memref<32x512xf32, #tpu.memory_space<vmem>>)
      %mul3A_199 = arith.constant 32 : i32
      %mul3A_200 = arith.muli %add3A_184, %mul3A_199 : i32
      %dma_start3A_201 = arith.constant 1 : i32
      %dma_start3A_202 = arith.constant 1 : i32
      %dma_start3A_203 = arith.constant 0 : i32
      %dma_start3A_204 = arith.constant 0 : i32
      %dma_start3A_205 = tpu.memref_slice %arg6[%dma_start3A_201, %dma_start3A_203, %dma_start3A_204] : memref<4x32x512xf32, #tpu.memory_space<vmem>> -> memref<1x32x512xf32, #tpu.memory_space<vmem>>
      %dma_start3A_206 = tpu.memref_squeeze %dma_start3A_205 : memref<1x32x512xf32, #tpu.memory_space<vmem>> -> memref<32x512xf32, #tpu.memory_space<vmem>>
      %dma_start3A_207 = arith.constant 0 : i32
      %dma_start3A_208 = arith.constant 0 : i32
      %dma_start3A_209 = tpu.memref_slice %arg4[%add3A, %dma_start3A_207, %dma_start3A_208] : memref<32x1024x512xf32, #tpu.memory_space<hbm>> -> memref<1x1024x512xf32, #tpu.memory_space<hbm>>
      %dma_start3A_210 = tpu.memref_squeeze %dma_start3A_209 : memref<1x1024x512xf32, #tpu.memory_space<hbm>> -> memref<1024x512xf32, #tpu.memory_space<hbm>>
      %dma_start3A_211 = arith.constant 0 : i32
      %dma_start3A_212 = tpu.memref_slice %dma_start3A_210[%mul3A_200, %dma_start3A_211] : memref<1024x512xf32, #tpu.memory_space<hbm>> -> memref<32x512xf32, #tpu.memory_space<hbm>>
      %dma_start3A_213 = tpu.memref_slice %arg8[%dma_start3A_202] : memref<4x!tpu.dma_semaphore, #tpu.memory_space<semaphore_mem>> -> memref<1x!tpu.dma_semaphore, #tpu.memory_space<semaphore_mem>>
      %dma_start3A_214 = tpu.memref_squeeze %dma_start3A_213 : memref<1x!tpu.dma_semaphore, #tpu.memory_space<semaphore_mem>> -> memref<!tpu.dma_semaphore, #tpu.memory_space<semaphore_mem>>
      %dma_start3A_215 = arith.constant 0 : i32
      %dma_start3A_216 = arith.constant 0 : i32
      %dma_start3A_217 = tpu.memref_slice %arg4[%add3A, %dma_start3A_215, %dma_start3A_216] : memref<32x1024x512xf32, #tpu.memory_space<hbm>> -> memref<1x1024x512xf32, #tpu.memory_space<hbm>>
      %dma_start3A_218 = tpu.memref_squeeze %dma_start3A_217 : memref<1x1024x512xf32, #tpu.memory_space<hbm>> -> memref<1024x512xf32, #tpu.memory_space<hbm>>
      %dma_start3A_219 = arith.constant 0 : i32
      %dma_start3A_220 = tpu.memref_slice %dma_start3A_218[%mul3A_200, %dma_start3A_219] : memref<1024x512xf32, #tpu.memory_space<hbm>> -> memref<32x512xf32, #tpu.memory_space<hbm>>
      %dma_start3A_221 = arith.constant 0 : i32
      %dma_start3A_222 = arith.constant 0 : i32
      %dma_start3A_223 = tpu.memref_slice %arg6[%dma_start3A_201, %dma_start3A_221, %dma_start3A_222] : memref<4x32x512xf32, #tpu.memory_space<vmem>> -> memref<1x32x512xf32, #tpu.memory_space<vmem>>
      %dma_start3A_224 = tpu.memref_squeeze %dma_start3A_223 : memref<1x32x512xf32, #tpu.memory_space<vmem>> -> memref<32x512xf32, #tpu.memory_space<vmem>>
      tpu.enqueue_dma source(%dma_start3A_224 : memref<32x512xf32, #tpu.memory_space<vmem>>) target(%dma_start3A_220 : memref<32x512xf32, #tpu.memory_space<hbm>>) target_semaphore(%dma_start3A_214 : memref<!tpu.dma_semaphore, #tpu.memory_space<semaphore_mem>>)
      %add3A_225 = arith.constant 2 : i32
      %add3A_226 = arith.addi %add3A_184, %add3A_225 : i32
      %lt3A_227 = arith.constant 32 : i32
      %lt3A_228 = arith.cmpi slt, %add3A_226, %lt3A_227 : i32
      %convert_element_type3A_229 = arith.extui %lt3A_228 : i1 to i32
      %cond3A_230 = arith.constant 0 : i32
      %cond3A_231 = arith.cmpi ne, %convert_element_type3A_229, %cond3A_230 : i32
      scf.if %cond3A_231 {
        %ge3A = arith.constant 2 : i32
        %ge3A_330 = arith.cmpi sge, %add3A_184, %ge3A : i32
        %convert_element_type3A_331 = arith.extui %ge3A_330 : i1 to i32
        %cond3A_332 = arith.constant 0 : i32
        %cond3A_333 = arith.cmpi ne, %convert_element_type3A_331, %cond3A_332 : i32
        scf.if %cond3A_333 {
          %sub3A = arith.constant 2 : i32
          %sub3A_350 = arith.subi %add3A_184, %sub3A : i32
          %mul3A_351 = arith.constant 32 : i32
          %mul3A_352 = arith.muli %sub3A_350, %mul3A_351 : i32
          %dma_wait3A_353 = arith.constant 3 : i32
          %dma_wait3A_354 = arith.constant 3 : i32
          %dma_wait3A_355 = arith.constant 0 : i32
          %dma_wait3A_356 = arith.constant 0 : i32
          %dma_wait3A_357 = tpu.memref_slice %arg6[%dma_wait3A_353, %dma_wait3A_355, %dma_wait3A_356] : memref<4x32x512xf32, #tpu.memory_space<vmem>> -> memref<1x32x512xf32, #tpu.memory_space<vmem>>
          %dma_wait3A_358 = tpu.memref_squeeze %dma_wait3A_357 : memref<1x32x512xf32, #tpu.memory_space<vmem>> -> memref<32x512xf32, #tpu.memory_space<vmem>>
          %dma_wait3A_359 = arith.constant 0 : i32
          %dma_wait3A_360 = arith.constant 0 : i32
          %dma_wait3A_361 = tpu.memref_slice %arg4[%add3A, %dma_wait3A_359, %dma_wait3A_360] : memref<32x1024x512xf32, #tpu.memory_space<hbm>> -> memref<1x1024x512xf32, #tpu.memory_space<hbm>>
          %dma_wait3A_362 = tpu.memref_squeeze %dma_wait3A_361 : memref<1x1024x512xf32, #tpu.memory_space<hbm>> -> memref<1024x512xf32, #tpu.memory_space<hbm>>
          %dma_wait3A_363 = arith.constant 0 : i32
          %dma_wait3A_364 = tpu.memref_slice %dma_wait3A_362[%mul3A_352, %dma_wait3A_363] : memref<1024x512xf32, #tpu.memory_space<hbm>> -> memref<32x512xf32, #tpu.memory_space<hbm>>
          %dma_wait3A_365 = tpu.memref_slice %arg8[%dma_wait3A_354] : memref<4x!tpu.dma_semaphore, #tpu.memory_space<semaphore_mem>> -> memref<1x!tpu.dma_semaphore, #tpu.memory_space<semaphore_mem>>
          %dma_wait3A_366 = tpu.memref_squeeze %dma_wait3A_365 : memref<1x!tpu.dma_semaphore, #tpu.memory_space<semaphore_mem>> -> memref<!tpu.dma_semaphore, #tpu.memory_space<semaphore_mem>>
          %dma_wait3A_367 = arith.constant 0 : i32
          %dma_wait3A_368 = arith.constant 0 : i32
          %dma_wait3A_369 = tpu.memref_slice %arg4[%add3A, %dma_wait3A_367, %dma_wait3A_368] : memref<32x1024x512xf32, #tpu.memory_space<hbm>> -> memref<1x1024x512xf32, #tpu.memory_space<hbm>>
          %dma_wait3A_370 = tpu.memref_squeeze %dma_wait3A_369 : memref<1x1024x512xf32, #tpu.memory_space<hbm>> -> memref<1024x512xf32, #tpu.memory_space<hbm>>
          %dma_wait3A_371 = arith.constant 0 : i32
          %dma_wait3A_372 = tpu.memref_slice %dma_wait3A_370[%mul3A_352, %dma_wait3A_371] : memref<1024x512xf32, #tpu.memory_space<hbm>> -> memref<32x512xf32, #tpu.memory_space<hbm>>
          %dma_wait3A_373 = arith.constant 0 : i32
          %dma_wait3A_374 = arith.constant 0 : i32
          %dma_wait3A_375 = tpu.memref_slice %arg6[%dma_wait3A_353, %dma_wait3A_373, %dma_wait3A_374] : memref<4x32x512xf32, #tpu.memory_space<vmem>> -> memref<1x32x512xf32, #tpu.memory_space<vmem>>
          %dma_wait3A_376 = tpu.memref_squeeze %dma_wait3A_375 : memref<1x32x512xf32, #tpu.memory_space<vmem>> -> memref<32x512xf32, #tpu.memory_space<vmem>>
          tpu.wait_dma2 semaphore(%dma_wait3A_366 : memref<!tpu.dma_semaphore, #tpu.memory_space<semaphore_mem>>) src(%dma_wait3A_376 : memref<32x512xf32, #tpu.memory_space<vmem>>) dst(%dma_wait3A_372 : memref<32x512xf32, #tpu.memory_space<hbm>>)
        } else {
        }
        %add3A_334 = arith.constant 2 : i32
        %add3A_335 = arith.addi %add3A_184, %add3A_334 : i32
        %mul3A_336 = arith.constant 32 : i32
        %mul3A_337 = arith.muli %add3A_335, %mul3A_336 : i32
        %dma_start3A_338 = arith.constant 3 : i32
        %dma_start3A_339 = arith.constant 3 : i32
        %dma_start3A_340 = arith.constant 0 : i32
        %dma_start3A_341 = arith.constant 0 : i32
        %dma_start3A_342 = tpu.memref_slice %arg6[%dma_start3A_338, %dma_start3A_340, %dma_start3A_341] : memref<4x32x512xf32, #tpu.memory_space<vmem>> -> memref<1x32x512xf32, #tpu.memory_space<vmem>>
        %dma_start3A_343 = tpu.memref_squeeze %dma_start3A_342 : memref<1x32x512xf32, #tpu.memory_space<vmem>> -> memref<32x512xf32, #tpu.memory_space<vmem>>
        %dma_start3A_344 = tpu.memref_slice %arg5[%mul3A_337] : memref<1024xi32, #tpu.memory_space<vmem>> -> memref<32xi32, #tpu.memory_space<vmem>>
        %dma_start3A_345 = arith.constant 0 : i32
        %dma_start3A_346 = arith.constant 0 : i32
        %dma_start3A_347 = tpu.memref_slice %arg3[%dma_start3A_345, %dma_start3A_346] : memref<50257x512xf32, #tpu.memory_space<hbm>> -> memref<50257x512xf32, #tpu.memory_space<hbm>>
        %dma_start3A_348 = tpu.memref_slice %arg7[%dma_start3A_339] : memref<4x!tpu.dma_semaphore, #tpu.memory_space<semaphore_mem>> -> memref<1x!tpu.dma_semaphore, #tpu.memory_space<semaphore_mem>>
        %dma_start3A_349 = tpu.memref_squeeze %dma_start3A_348 : memref<1x!tpu.dma_semaphore, #tpu.memory_space<semaphore_mem>> -> memref<!tpu.dma_semaphore, #tpu.memory_space<semaphore_mem>>
        tpu.enqueue_indirect_dma source(%dma_start3A_347 : memref<50257x512xf32, #tpu.memory_space<hbm>>) target(%dma_start3A_343 : memref<32x512xf32, #tpu.memory_space<vmem>>) offsets(%dma_start3A_344 : memref<32xi32, #tpu.memory_space<vmem>>) semaphore(%dma_start3A_349 : memref<!tpu.dma_semaphore, #tpu.memory_space<semaphore_mem>>)
      } else {
      }
      %add3A_232 = arith.constant 2 : i32
      %add3A_233 = arith.addi %mul3A_136, %add3A_232 : i32
      %mul3A_234 = arith.constant 32 : i32
      %mul3A_235 = arith.muli %add3A_233, %mul3A_234 : i32
      %dma_wait3A_236 = arith.constant 2 : i32
      %dma_wait3A_237 = arith.constant 2 : i32
      %dma_wait3A_238 = arith.constant 0 : i32
      %dma_wait3A_239 = arith.constant 0 : i32
      %dma_wait3A_240 = tpu.memref_slice %arg6[%dma_wait3A_236, %dma_wait3A_238, %dma_wait3A_239] : memref<4x32x512xf32, #tpu.memory_space<vmem>> -> memref<1x32x512xf32, #tpu.memory_space<vmem>>
      %dma_wait3A_241 = tpu.memref_squeeze %dma_wait3A_240 : memref<1x32x512xf32, #tpu.memory_space<vmem>> -> memref<32x512xf32, #tpu.memory_space<vmem>>
      %dma_wait3A_242 = tpu.memref_slice %arg5[%mul3A_235] : memref<1024xi32, #tpu.memory_space<vmem>> -> memref<32xi32, #tpu.memory_space<vmem>>
      %dma_wait3A_243 = arith.constant 0 : i32
      %dma_wait3A_244 = arith.constant 0 : i32
      %dma_wait3A_245 = tpu.memref_slice %arg3[%dma_wait3A_243, %dma_wait3A_244] : memref<50257x512xf32, #tpu.memory_space<hbm>> -> memref<50257x512xf32, #tpu.memory_space<hbm>>
      %dma_wait3A_246 = tpu.memref_slice %arg7[%dma_wait3A_237] : memref<4x!tpu.dma_semaphore, #tpu.memory_space<semaphore_mem>> -> memref<1x!tpu.dma_semaphore, #tpu.memory_space<semaphore_mem>>
      %dma_wait3A_247 = tpu.memref_squeeze %dma_wait3A_246 : memref<1x!tpu.dma_semaphore, #tpu.memory_space<semaphore_mem>> -> memref<!tpu.dma_semaphore, #tpu.memory_space<semaphore_mem>>
      tpu.wait_indirect_dma semaphore(%dma_wait3A_247 : memref<!tpu.dma_semaphore, #tpu.memory_space<semaphore_mem>>) src(%dma_wait3A_245 : memref<50257x512xf32, #tpu.memory_space<hbm>>) dst(%dma_wait3A_241 : memref<32x512xf32, #tpu.memory_space<vmem>>)
      %mul3A_248 = arith.constant 32 : i32
      %mul3A_249 = arith.muli %add3A_233, %mul3A_248 : i32
      %dma_start3A_250 = arith.constant 2 : i32
      %dma_start3A_251 = arith.constant 2 : i32
      %dma_start3A_252 = arith.constant 0 : i32
      %dma_start3A_253 = arith.constant 0 : i32
      %dma_start3A_254 = tpu.memref_slice %arg6[%dma_start3A_250, %dma_start3A_252, %dma_start3A_253] : memref<4x32x512xf32, #tpu.memory_space<vmem>> -> memref<1x32x512xf32, #tpu.memory_space<vmem>>
      %dma_start3A_255 = tpu.memref_squeeze %dma_start3A_254 : memref<1x32x512xf32, #tpu.memory_space<vmem>> -> memref<32x512xf32, #tpu.memory_space<vmem>>
      %dma_start3A_256 = arith.constant 0 : i32
      %dma_start3A_257 = arith.constant 0 : i32
      %dma_start3A_258 = tpu.memref_slice %arg4[%add3A, %dma_start3A_256, %dma_start3A_257] : memref<32x1024x512xf32, #tpu.memory_space<hbm>> -> memref<1x1024x512xf32, #tpu.memory_space<hbm>>
      %dma_start3A_259 = tpu.memref_squeeze %dma_start3A_258 : memref<1x1024x512xf32, #tpu.memory_space<hbm>> -> memref<1024x512xf32, #tpu.memory_space<hbm>>
      %dma_start3A_260 = arith.constant 0 : i32
      %dma_start3A_261 = tpu.memref_slice %dma_start3A_259[%mul3A_249, %dma_start3A_260] : memref<1024x512xf32, #tpu.memory_space<hbm>> -> memref<32x512xf32, #tpu.memory_space<hbm>>
      %dma_start3A_262 = tpu.memref_slice %arg8[%dma_start3A_251] : memref<4x!tpu.dma_semaphore, #tpu.memory_space<semaphore_mem>> -> memref<1x!tpu.dma_semaphore, #tpu.memory_space<semaphore_mem>>
      %dma_start3A_263 = tpu.memref_squeeze %dma_start3A_262 : memref<1x!tpu.dma_semaphore, #tpu.memory_space<semaphore_mem>> -> memref<!tpu.dma_semaphore, #tpu.memory_space<semaphore_mem>>
      %dma_start3A_264 = arith.constant 0 : i32
      %dma_start3A_265 = arith.constant 0 : i32
      %dma_start3A_266 = tpu.memref_slice %arg4[%add3A, %dma_start3A_264, %dma_start3A_265] : memref<32x1024x512xf32, #tpu.memory_space<hbm>> -> memref<1x1024x512xf32, #tpu.memory_space<hbm>>
      %dma_start3A_267 = tpu.memref_squeeze %dma_start3A_266 : memref<1x1024x512xf32, #tpu.memory_space<hbm>> -> memref<1024x512xf32, #tpu.memory_space<hbm>>
      %dma_start3A_268 = arith.constant 0 : i32
      %dma_start3A_269 = tpu.memref_slice %dma_start3A_267[%mul3A_249, %dma_start3A_268] : memref<1024x512xf32, #tpu.memory_space<hbm>> -> memref<32x512xf32, #tpu.memory_space<hbm>>
      %dma_start3A_270 = arith.constant 0 : i32
      %dma_start3A_271 = arith.constant 0 : i32
      %dma_start3A_272 = tpu.memref_slice %arg6[%dma_start3A_250, %dma_start3A_270, %dma_start3A_271] : memref<4x32x512xf32, #tpu.memory_space<vmem>> -> memref<1x32x512xf32, #tpu.memory_space<vmem>>
      %dma_start3A_273 = tpu.memref_squeeze %dma_start3A_272 : memref<1x32x512xf32, #tpu.memory_space<vmem>> -> memref<32x512xf32, #tpu.memory_space<vmem>>
      tpu.enqueue_dma source(%dma_start3A_273 : memref<32x512xf32, #tpu.memory_space<vmem>>) target(%dma_start3A_269 : memref<32x512xf32, #tpu.memory_space<hbm>>) target_semaphore(%dma_start3A_263 : memref<!tpu.dma_semaphore, #tpu.memory_space<semaphore_mem>>)
      %add3A_274 = arith.constant 2 : i32
      %add3A_275 = arith.addi %add3A_233, %add3A_274 : i32
      %lt3A_276 = arith.constant 32 : i32
      %lt3A_277 = arith.cmpi slt, %add3A_275, %lt3A_276 : i32
      %convert_element_type3A_278 = arith.extui %lt3A_277 : i1 to i32
      %cond3A_279 = arith.constant 0 : i32
      %cond3A_280 = arith.cmpi ne, %convert_element_type3A_278, %cond3A_279 : i32
      scf.if %cond3A_280 {
        %ge3A = arith.constant 2 : i32
        %ge3A_330 = arith.cmpi sge, %add3A_233, %ge3A : i32
        %convert_element_type3A_331 = arith.extui %ge3A_330 : i1 to i32
        %cond3A_332 = arith.constant 0 : i32
        %cond3A_333 = arith.cmpi ne, %convert_element_type3A_331, %cond3A_332 : i32
        scf.if %cond3A_333 {
          %sub3A = arith.constant 2 : i32
          %sub3A_350 = arith.subi %add3A_233, %sub3A : i32
          %mul3A_351 = arith.constant 32 : i32
          %mul3A_352 = arith.muli %sub3A_350, %mul3A_351 : i32
          %dma_wait3A_353 = arith.constant 0 : i32
          %dma_wait3A_354 = arith.constant 0 : i32
          %dma_wait3A_355 = arith.constant 0 : i32
          %dma_wait3A_356 = arith.constant 0 : i32
          %dma_wait3A_357 = tpu.memref_slice %arg6[%dma_wait3A_353, %dma_wait3A_355, %dma_wait3A_356] : memref<4x32x512xf32, #tpu.memory_space<vmem>> -> memref<1x32x512xf32, #tpu.memory_space<vmem>>
          %dma_wait3A_358 = tpu.memref_squeeze %dma_wait3A_357 : memref<1x32x512xf32, #tpu.memory_space<vmem>> -> memref<32x512xf32, #tpu.memory_space<vmem>>
          %dma_wait3A_359 = arith.constant 0 : i32
          %dma_wait3A_360 = arith.constant 0 : i32
          %dma_wait3A_361 = tpu.memref_slice %arg4[%add3A, %dma_wait3A_359, %dma_wait3A_360] : memref<32x1024x512xf32, #tpu.memory_space<hbm>> -> memref<1x1024x512xf32, #tpu.memory_space<hbm>>
          %dma_wait3A_362 = tpu.memref_squeeze %dma_wait3A_361 : memref<1x1024x512xf32, #tpu.memory_space<hbm>> -> memref<1024x512xf32, #tpu.memory_space<hbm>>
          %dma_wait3A_363 = arith.constant 0 : i32
          %dma_wait3A_364 = tpu.memref_slice %dma_wait3A_362[%mul3A_352, %dma_wait3A_363] : memref<1024x512xf32, #tpu.memory_space<hbm>> -> memref<32x512xf32, #tpu.memory_space<hbm>>
          %dma_wait3A_365 = tpu.memref_slice %arg8[%dma_wait3A_354] : memref<4x!tpu.dma_semaphore, #tpu.memory_space<semaphore_mem>> -> memref<1x!tpu.dma_semaphore, #tpu.memory_space<semaphore_mem>>
          %dma_wait3A_366 = tpu.memref_squeeze %dma_wait3A_365 : memref<1x!tpu.dma_semaphore, #tpu.memory_space<semaphore_mem>> -> memref<!tpu.dma_semaphore, #tpu.memory_space<semaphore_mem>>
          %dma_wait3A_367 = arith.constant 0 : i32
          %dma_wait3A_368 = arith.constant 0 : i32
          %dma_wait3A_369 = tpu.memref_slice %arg4[%add3A, %dma_wait3A_367, %dma_wait3A_368] : memref<32x1024x512xf32, #tpu.memory_space<hbm>> -> memref<1x1024x512xf32, #tpu.memory_space<hbm>>
          %dma_wait3A_370 = tpu.memref_squeeze %dma_wait3A_369 : memref<1x1024x512xf32, #tpu.memory_space<hbm>> -> memref<1024x512xf32, #tpu.memory_space<hbm>>
          %dma_wait3A_371 = arith.constant 0 : i32
          %dma_wait3A_372 = tpu.memref_slice %dma_wait3A_370[%mul3A_352, %dma_wait3A_371] : memref<1024x512xf32, #tpu.memory_space<hbm>> -> memref<32x512xf32, #tpu.memory_space<hbm>>
          %dma_wait3A_373 = arith.constant 0 : i32
          %dma_wait3A_374 = arith.constant 0 : i32
          %dma_wait3A_375 = tpu.memref_slice %arg6[%dma_wait3A_353, %dma_wait3A_373, %dma_wait3A_374] : memref<4x32x512xf32, #tpu.memory_space<vmem>> -> memref<1x32x512xf32, #tpu.memory_space<vmem>>
          %dma_wait3A_376 = tpu.memref_squeeze %dma_wait3A_375 : memref<1x32x512xf32, #tpu.memory_space<vmem>> -> memref<32x512xf32, #tpu.memory_space<vmem>>
          tpu.wait_dma2 semaphore(%dma_wait3A_366 : memref<!tpu.dma_semaphore, #tpu.memory_space<semaphore_mem>>) src(%dma_wait3A_376 : memref<32x512xf32, #tpu.memory_space<vmem>>) dst(%dma_wait3A_372 : memref<32x512xf32, #tpu.memory_space<hbm>>)
        } else {
        }
        %add3A_334 = arith.constant 2 : i32
        %add3A_335 = arith.addi %add3A_233, %add3A_334 : i32
        %mul3A_336 = arith.constant 32 : i32
        %mul3A_337 = arith.muli %add3A_335, %mul3A_336 : i32
        %dma_start3A_338 = arith.constant 0 : i32
        %dma_start3A_339 = arith.constant 0 : i32
        %dma_start3A_340 = arith.constant 0 : i32
        %dma_start3A_341 = arith.constant 0 : i32
        %dma_start3A_342 = tpu.memref_slice %arg6[%dma_start3A_338, %dma_start3A_340, %dma_start3A_341] : memref<4x32x512xf32, #tpu.memory_space<vmem>> -> memref<1x32x512xf32, #tpu.memory_space<vmem>>
        %dma_start3A_343 = tpu.memref_squeeze %dma_start3A_342 : memref<1x32x512xf32, #tpu.memory_space<vmem>> -> memref<32x512xf32, #tpu.memory_space<vmem>>
        %dma_start3A_344 = tpu.memref_slice %arg5[%mul3A_337] : memref<1024xi32, #tpu.memory_space<vmem>> -> memref<32xi32, #tpu.memory_space<vmem>>
        %dma_start3A_345 = arith.constant 0 : i32
        %dma_start3A_346 = arith.constant 0 : i32
        %dma_start3A_347 = tpu.memref_slice %arg3[%dma_start3A_345, %dma_start3A_346] : memref<50257x512xf32, #tpu.memory_space<hbm>> -> memref<50257x512xf32, #tpu.memory_space<hbm>>
        %dma_start3A_348 = tpu.memref_slice %arg7[%dma_start3A_339] : memref<4x!tpu.dma_semaphore, #tpu.memory_space<semaphore_mem>> -> memref<1x!tpu.dma_semaphore, #tpu.memory_space<semaphore_mem>>
        %dma_start3A_349 = tpu.memref_squeeze %dma_start3A_348 : memref<1x!tpu.dma_semaphore, #tpu.memory_space<semaphore_mem>> -> memref<!tpu.dma_semaphore, #tpu.memory_space<semaphore_mem>>
        tpu.enqueue_indirect_dma source(%dma_start3A_347 : memref<50257x512xf32, #tpu.memory_space<hbm>>) target(%dma_start3A_343 : memref<32x512xf32, #tpu.memory_space<vmem>>) offsets(%dma_start3A_344 : memref<32xi32, #tpu.memory_space<vmem>>) semaphore(%dma_start3A_349 : memref<!tpu.dma_semaphore, #tpu.memory_space<semaphore_mem>>)
      } else {
      }
      %add3A_281 = arith.constant 3 : i32
      %add3A_282 = arith.addi %mul3A_136, %add3A_281 : i32
      %mul3A_283 = arith.constant 32 : i32
      %mul3A_284 = arith.muli %add3A_282, %mul3A_283 : i32
      %dma_wait3A_285 = arith.constant 3 : i32
      %dma_wait3A_286 = arith.constant 3 : i32
      %dma_wait3A_287 = arith.constant 0 : i32
      %dma_wait3A_288 = arith.constant 0 : i32
      %dma_wait3A_289 = tpu.memref_slice %arg6[%dma_wait3A_285, %dma_wait3A_287, %dma_wait3A_288] : memref<4x32x512xf32, #tpu.memory_space<vmem>> -> memref<1x32x512xf32, #tpu.memory_space<vmem>>
      %dma_wait3A_290 = tpu.memref_squeeze %dma_wait3A_289 : memref<1x32x512xf32, #tpu.memory_space<vmem>> -> memref<32x512xf32, #tpu.memory_space<vmem>>
      %dma_wait3A_291 = tpu.memref_slice %arg5[%mul3A_284] : memref<1024xi32, #tpu.memory_space<vmem>> -> memref<32xi32, #tpu.memory_space<vmem>>
      %dma_wait3A_292 = arith.constant 0 : i32
      %dma_wait3A_293 = arith.constant 0 : i32
      %dma_wait3A_294 = tpu.memref_slice %arg3[%dma_wait3A_292, %dma_wait3A_293] : memref<50257x512xf32, #tpu.memory_space<hbm>> -> memref<50257x512xf32, #tpu.memory_space<hbm>>
      %dma_wait3A_295 = tpu.memref_slice %arg7[%dma_wait3A_286] : memref<4x!tpu.dma_semaphore, #tpu.memory_space<semaphore_mem>> -> memref<1x!tpu.dma_semaphore, #tpu.memory_space<semaphore_mem>>
      %dma_wait3A_296 = tpu.memref_squeeze %dma_wait3A_295 : memref<1x!tpu.dma_semaphore, #tpu.memory_space<semaphore_mem>> -> memref<!tpu.dma_semaphore, #tpu.memory_space<semaphore_mem>>
      tpu.wait_indirect_dma semaphore(%dma_wait3A_296 : memref<!tpu.dma_semaphore, #tpu.memory_space<semaphore_mem>>) src(%dma_wait3A_294 : memref<50257x512xf32, #tpu.memory_space<hbm>>) dst(%dma_wait3A_290 : memref<32x512xf32, #tpu.memory_space<vmem>>)
      %mul3A_297 = arith.constant 32 : i32
      %mul3A_298 = arith.muli %add3A_282, %mul3A_297 : i32
      %dma_start3A_299 = arith.constant 3 : i32
      %dma_start3A_300 = arith.constant 3 : i32
      %dma_start3A_301 = arith.constant 0 : i32
      %dma_start3A_302 = arith.constant 0 : i32
      %dma_start3A_303 = tpu.memref_slice %arg6[%dma_start3A_299, %dma_start3A_301, %dma_start3A_302] : memref<4x32x512xf32, #tpu.memory_space<vmem>> -> memref<1x32x512xf32, #tpu.memory_space<vmem>>
      %dma_start3A_304 = tpu.memref_squeeze %dma_start3A_303 : memref<1x32x512xf32, #tpu.memory_space<vmem>> -> memref<32x512xf32, #tpu.memory_space<vmem>>
      %dma_start3A_305 = arith.constant 0 : i32
      %dma_start3A_306 = arith.constant 0 : i32
      %dma_start3A_307 = tpu.memref_slice %arg4[%add3A, %dma_start3A_305, %dma_start3A_306] : memref<32x1024x512xf32, #tpu.memory_space<hbm>> -> memref<1x1024x512xf32, #tpu.memory_space<hbm>>
      %dma_start3A_308 = tpu.memref_squeeze %dma_start3A_307 : memref<1x1024x512xf32, #tpu.memory_space<hbm>> -> memref<1024x512xf32, #tpu.memory_space<hbm>>
      %dma_start3A_309 = arith.constant 0 : i32
      %dma_start3A_310 = tpu.memref_slice %dma_start3A_308[%mul3A_298, %dma_start3A_309] : memref<1024x512xf32, #tpu.memory_space<hbm>> -> memref<32x512xf32, #tpu.memory_space<hbm>>
      %dma_start3A_311 = tpu.memref_slice %arg8[%dma_start3A_300] : memref<4x!tpu.dma_semaphore, #tpu.memory_space<semaphore_mem>> -> memref<1x!tpu.dma_semaphore, #tpu.memory_space<semaphore_mem>>
      %dma_start3A_312 = tpu.memref_squeeze %dma_start3A_311 : memref<1x!tpu.dma_semaphore, #tpu.memory_space<semaphore_mem>> -> memref<!tpu.dma_semaphore, #tpu.memory_space<semaphore_mem>>
      %dma_start3A_313 = arith.constant 0 : i32
      %dma_start3A_314 = arith.constant 0 : i32
      %dma_start3A_315 = tpu.memref_slice %arg4[%add3A, %dma_start3A_313, %dma_start3A_314] : memref<32x1024x512xf32, #tpu.memory_space<hbm>> -> memref<1x1024x512xf32, #tpu.memory_space<hbm>>
      %dma_start3A_316 = tpu.memref_squeeze %dma_start3A_315 : memref<1x1024x512xf32, #tpu.memory_space<hbm>> -> memref<1024x512xf32, #tpu.memory_space<hbm>>
      %dma_start3A_317 = arith.constant 0 : i32
      %dma_start3A_318 = tpu.memref_slice %dma_start3A_316[%mul3A_298, %dma_start3A_317] : memref<1024x512xf32, #tpu.memory_space<hbm>> -> memref<32x512xf32, #tpu.memory_space<hbm>>
      %dma_start3A_319 = arith.constant 0 : i32
      %dma_start3A_320 = arith.constant 0 : i32
      %dma_start3A_321 = tpu.memref_slice %arg6[%dma_start3A_299, %dma_start3A_319, %dma_start3A_320] : memref<4x32x512xf32, #tpu.memory_space<vmem>> -> memref<1x32x512xf32, #tpu.memory_space<vmem>>
      %dma_start3A_322 = tpu.memref_squeeze %dma_start3A_321 : memref<1x32x512xf32, #tpu.memory_space<vmem>> -> memref<32x512xf32, #tpu.memory_space<vmem>>
      tpu.enqueue_dma source(%dma_start3A_322 : memref<32x512xf32, #tpu.memory_space<vmem>>) target(%dma_start3A_318 : memref<32x512xf32, #tpu.memory_space<hbm>>) target_semaphore(%dma_start3A_312 : memref<!tpu.dma_semaphore, #tpu.memory_space<semaphore_mem>>)
      %add3A_323 = arith.constant 2 : i32
      %add3A_324 = arith.addi %add3A_282, %add3A_323 : i32
      %lt3A_325 = arith.constant 32 : i32
      %lt3A_326 = arith.cmpi slt, %add3A_324, %lt3A_325 : i32
      %convert_element_type3A_327 = arith.extui %lt3A_326 : i1 to i32
      %cond3A_328 = arith.constant 0 : i32
      %cond3A_329 = arith.cmpi ne, %convert_element_type3A_327, %cond3A_328 : i32
      scf.if %cond3A_329 {
        %ge3A = arith.constant 2 : i32
        %ge3A_330 = arith.cmpi sge, %add3A_282, %ge3A : i32
        %convert_element_type3A_331 = arith.extui %ge3A_330 : i1 to i32
        %cond3A_332 = arith.constant 0 : i32
        %cond3A_333 = arith.cmpi ne, %convert_element_type3A_331, %cond3A_332 : i32
        scf.if %cond3A_333 {
          %sub3A = arith.constant 2 : i32
          %sub3A_350 = arith.subi %add3A_282, %sub3A : i32
          %mul3A_351 = arith.constant 32 : i32
          %mul3A_352 = arith.muli %sub3A_350, %mul3A_351 : i32
          %dma_wait3A_353 = arith.constant 1 : i32
          %dma_wait3A_354 = arith.constant 1 : i32
          %dma_wait3A_355 = arith.constant 0 : i32
          %dma_wait3A_356 = arith.constant 0 : i32
          %dma_wait3A_357 = tpu.memref_slice %arg6[%dma_wait3A_353, %dma_wait3A_355, %dma_wait3A_356] : memref<4x32x512xf32, #tpu.memory_space<vmem>> -> memref<1x32x512xf32, #tpu.memory_space<vmem>>
          %dma_wait3A_358 = tpu.memref_squeeze %dma_wait3A_357 : memref<1x32x512xf32, #tpu.memory_space<vmem>> -> memref<32x512xf32, #tpu.memory_space<vmem>>
          %dma_wait3A_359 = arith.constant 0 : i32
          %dma_wait3A_360 = arith.constant 0 : i32
          %dma_wait3A_361 = tpu.memref_slice %arg4[%add3A, %dma_wait3A_359, %dma_wait3A_360] : memref<32x1024x512xf32, #tpu.memory_space<hbm>> -> memref<1x1024x512xf32, #tpu.memory_space<hbm>>
          %dma_wait3A_362 = tpu.memref_squeeze %dma_wait3A_361 : memref<1x1024x512xf32, #tpu.memory_space<hbm>> -> memref<1024x512xf32, #tpu.memory_space<hbm>>
          %dma_wait3A_363 = arith.constant 0 : i32
          %dma_wait3A_364 = tpu.memref_slice %dma_wait3A_362[%mul3A_352, %dma_wait3A_363] : memref<1024x512xf32, #tpu.memory_space<hbm>> -> memref<32x512xf32, #tpu.memory_space<hbm>>
          %dma_wait3A_365 = tpu.memref_slice %arg8[%dma_wait3A_354] : memref<4x!tpu.dma_semaphore, #tpu.memory_space<semaphore_mem>> -> memref<1x!tpu.dma_semaphore, #tpu.memory_space<semaphore_mem>>
          %dma_wait3A_366 = tpu.memref_squeeze %dma_wait3A_365 : memref<1x!tpu.dma_semaphore, #tpu.memory_space<semaphore_mem>> -> memref<!tpu.dma_semaphore, #tpu.memory_space<semaphore_mem>>
          %dma_wait3A_367 = arith.constant 0 : i32
          %dma_wait3A_368 = arith.constant 0 : i32
          %dma_wait3A_369 = tpu.memref_slice %arg4[%add3A, %dma_wait3A_367, %dma_wait3A_368] : memref<32x1024x512xf32, #tpu.memory_space<hbm>> -> memref<1x1024x512xf32, #tpu.memory_space<hbm>>
          %dma_wait3A_370 = tpu.memref_squeeze %dma_wait3A_369 : memref<1x1024x512xf32, #tpu.memory_space<hbm>> -> memref<1024x512xf32, #tpu.memory_space<hbm>>
          %dma_wait3A_371 = arith.constant 0 : i32
          %dma_wait3A_372 = tpu.memref_slice %dma_wait3A_370[%mul3A_352, %dma_wait3A_371] : memref<1024x512xf32, #tpu.memory_space<hbm>> -> memref<32x512xf32, #tpu.memory_space<hbm>>
          %dma_wait3A_373 = arith.constant 0 : i32
          %dma_wait3A_374 = arith.constant 0 : i32
          %dma_wait3A_375 = tpu.memref_slice %arg6[%dma_wait3A_353, %dma_wait3A_373, %dma_wait3A_374] : memref<4x32x512xf32, #tpu.memory_space<vmem>> -> memref<1x32x512xf32, #tpu.memory_space<vmem>>
          %dma_wait3A_376 = tpu.memref_squeeze %dma_wait3A_375 : memref<1x32x512xf32, #tpu.memory_space<vmem>> -> memref<32x512xf32, #tpu.memory_space<vmem>>
          tpu.wait_dma2 semaphore(%dma_wait3A_366 : memref<!tpu.dma_semaphore, #tpu.memory_space<semaphore_mem>>) src(%dma_wait3A_376 : memref<32x512xf32, #tpu.memory_space<vmem>>) dst(%dma_wait3A_372 : memref<32x512xf32, #tpu.memory_space<hbm>>)
        } else {
        }
        %add3A_334 = arith.constant 2 : i32
        %add3A_335 = arith.addi %add3A_282, %add3A_334 : i32
        %mul3A_336 = arith.constant 32 : i32
        %mul3A_337 = arith.muli %add3A_335, %mul3A_336 : i32
        %dma_start3A_338 = arith.constant 1 : i32
        %dma_start3A_339 = arith.constant 1 : i32
        %dma_start3A_340 = arith.constant 0 : i32
        %dma_start3A_341 = arith.constant 0 : i32
        %dma_start3A_342 = tpu.memref_slice %arg6[%dma_start3A_338, %dma_start3A_340, %dma_start3A_341] : memref<4x32x512xf32, #tpu.memory_space<vmem>> -> memref<1x32x512xf32, #tpu.memory_space<vmem>>
        %dma_start3A_343 = tpu.memref_squeeze %dma_start3A_342 : memref<1x32x512xf32, #tpu.memory_space<vmem>> -> memref<32x512xf32, #tpu.memory_space<vmem>>
        %dma_start3A_344 = tpu.memref_slice %arg5[%mul3A_337] : memref<1024xi32, #tpu.memory_space<vmem>> -> memref<32xi32, #tpu.memory_space<vmem>>
        %dma_start3A_345 = arith.constant 0 : i32
        %dma_start3A_346 = arith.constant 0 : i32
        %dma_start3A_347 = tpu.memref_slice %arg3[%dma_start3A_345, %dma_start3A_346] : memref<50257x512xf32, #tpu.memory_space<hbm>> -> memref<50257x512xf32, #tpu.memory_space<hbm>>
        %dma_start3A_348 = tpu.memref_slice %arg7[%dma_start3A_339] : memref<4x!tpu.dma_semaphore, #tpu.memory_space<semaphore_mem>> -> memref<1x!tpu.dma_semaphore, #tpu.memory_space<semaphore_mem>>
        %dma_start3A_349 = tpu.memref_squeeze %dma_start3A_348 : memref<1x!tpu.dma_semaphore, #tpu.memory_space<semaphore_mem>> -> memref<!tpu.dma_semaphore, #tpu.memory_space<semaphore_mem>>
        tpu.enqueue_indirect_dma source(%dma_start3A_347 : memref<50257x512xf32, #tpu.memory_space<hbm>>) target(%dma_start3A_343 : memref<32x512xf32, #tpu.memory_space<vmem>>) offsets(%dma_start3A_344 : memref<32xi32, #tpu.memory_space<vmem>>) semaphore(%dma_start3A_349 : memref<!tpu.dma_semaphore, #tpu.memory_space<semaphore_mem>>)
      } else {
      }
    }
    %scan3A_30 = arith.constant 8 : i32
    %dma_wait3A = arith.constant 0 : i32
    %dma_wait3A_31 = arith.constant 0 : i32
    %dma_wait3A_32 = arith.constant 0 : i32
    %dma_wait3A_33 = arith.constant 0 : i32
    %dma_wait3A_34 = tpu.memref_slice %arg6[%dma_wait3A, %dma_wait3A_32, %dma_wait3A_33] : memref<4x32x512xf32, #tpu.memory_space<vmem>> -> memref<1x32x512xf32, #tpu.memory_space<vmem>>
    %dma_wait3A_35 = tpu.memref_squeeze %dma_wait3A_34 : memref<1x32x512xf32, #tpu.memory_space<vmem>> -> memref<32x512xf32, #tpu.memory_space<vmem>>
    %dma_wait3A_36 = arith.constant 0 : i32
    %dma_wait3A_37 = arith.constant 0 : i32
    %dma_wait3A_38 = tpu.memref_slice %arg4[%add3A, %dma_wait3A_36, %dma_wait3A_37] : memref<32x1024x512xf32, #tpu.memory_space<hbm>> -> memref<1x1024x512xf32, #tpu.memory_space<hbm>>
    %dma_wait3A_39 = tpu.memref_squeeze %dma_wait3A_38 : memref<1x1024x512xf32, #tpu.memory_space<hbm>> -> memref<1024x512xf32, #tpu.memory_space<hbm>>
    %dma_wait3A_40 = arith.constant 896 : i32
    %dma_wait3A_41 = arith.constant 0 : i32
    %dma_wait3A_42 = tpu.memref_slice %dma_wait3A_39[%dma_wait3A_40, %dma_wait3A_41] : memref<1024x512xf32, #tpu.memory_space<hbm>> -> memref<32x512xf32, #tpu.memory_space<hbm>>
    %dma_wait3A_43 = tpu.memref_slice %arg8[%dma_wait3A_31] : memref<4x!tpu.dma_semaphore, #tpu.memory_space<semaphore_mem>> -> memref<1x!tpu.dma_semaphore, #tpu.memory_space<semaphore_mem>>
    %dma_wait3A_44 = tpu.memref_squeeze %dma_wait3A_43 : memref<1x!tpu.dma_semaphore, #tpu.memory_space<semaphore_mem>> -> memref<!tpu.dma_semaphore, #tpu.memory_space<semaphore_mem>>
    %dma_wait3A_45 = arith.constant 0 : i32
    %dma_wait3A_46 = arith.constant 0 : i32
    %dma_wait3A_47 = tpu.memref_slice %arg4[%add3A, %dma_wait3A_45, %dma_wait3A_46] : memref<32x1024x512xf32, #tpu.memory_space<hbm>> -> memref<1x1024x512xf32, #tpu.memory_space<hbm>>
    %dma_wait3A_48 = tpu.memref_squeeze %dma_wait3A_47 : memref<1x1024x512xf32, #tpu.memory_space<hbm>> -> memref<1024x512xf32, #tpu.memory_space<hbm>>
    %dma_wait3A_49 = arith.constant 896 : i32
    %dma_wait3A_50 = arith.constant 0 : i32
    %dma_wait3A_51 = tpu.memref_slice %dma_wait3A_48[%dma_wait3A_49, %dma_wait3A_50] : memref<1024x512xf32, #tpu.memory_space<hbm>> -> memref<32x512xf32, #tpu.memory_space<hbm>>
    %dma_wait3A_52 = arith.constant 0 : i32
    %dma_wait3A_53 = arith.constant 0 : i32
    %dma_wait3A_54 = tpu.memref_slice %arg6[%dma_wait3A, %dma_wait3A_52, %dma_wait3A_53] : memref<4x32x512xf32, #tpu.memory_space<vmem>> -> memref<1x32x512xf32, #tpu.memory_space<vmem>>
    %dma_wait3A_55 = tpu.memref_squeeze %dma_wait3A_54 : memref<1x32x512xf32, #tpu.memory_space<vmem>> -> memref<32x512xf32, #tpu.memory_space<vmem>>
    tpu.wait_dma2 semaphore(%dma_wait3A_44 : memref<!tpu.dma_semaphore, #tpu.memory_space<semaphore_mem>>) src(%dma_wait3A_55 : memref<32x512xf32, #tpu.memory_space<vmem>>) dst(%dma_wait3A_51 : memref<32x512xf32, #tpu.memory_space<hbm>>)
    %dma_wait3A_56 = arith.constant 1 : i32
    %dma_wait3A_57 = arith.constant 1 : i32
    %dma_wait3A_58 = arith.constant 0 : i32
    %dma_wait3A_59 = arith.constant 0 : i32
    %dma_wait3A_60 = tpu.memref_slice %arg6[%dma_wait3A_56, %dma_wait3A_58, %dma_wait3A_59] : memref<4x32x512xf32, #tpu.memory_space<vmem>> -> memref<1x32x512xf32, #tpu.memory_space<vmem>>
    %dma_wait3A_61 = tpu.memref_squeeze %dma_wait3A_60 : memref<1x32x512xf32, #tpu.memory_space<vmem>> -> memref<32x512xf32, #tpu.memory_space<vmem>>
    %dma_wait3A_62 = arith.constant 0 : i32
    %dma_wait3A_63 = arith.constant 0 : i32
    %dma_wait3A_64 = tpu.memref_slice %arg4[%add3A, %dma_wait3A_62, %dma_wait3A_63] : memref<32x1024x512xf32, #tpu.memory_space<hbm>> -> memref<1x1024x512xf32, #tpu.memory_space<hbm>>
    %dma_wait3A_65 = tpu.memref_squeeze %dma_wait3A_64 : memref<1x1024x512xf32, #tpu.memory_space<hbm>> -> memref<1024x512xf32, #tpu.memory_space<hbm>>
    %dma_wait3A_66 = arith.constant 928 : i32
    %dma_wait3A_67 = arith.constant 0 : i32
    %dma_wait3A_68 = tpu.memref_slice %dma_wait3A_65[%dma_wait3A_66, %dma_wait3A_67] : memref<1024x512xf32, #tpu.memory_space<hbm>> -> memref<32x512xf32, #tpu.memory_space<hbm>>
    %dma_wait3A_69 = tpu.memref_slice %arg8[%dma_wait3A_57] : memref<4x!tpu.dma_semaphore, #tpu.memory_space<semaphore_mem>> -> memref<1x!tpu.dma_semaphore, #tpu.memory_space<semaphore_mem>>
    %dma_wait3A_70 = tpu.memref_squeeze %dma_wait3A_69 : memref<1x!tpu.dma_semaphore, #tpu.memory_space<semaphore_mem>> -> memref<!tpu.dma_semaphore, #tpu.memory_space<semaphore_mem>>
    %dma_wait3A_71 = arith.constant 0 : i32
    %dma_wait3A_72 = arith.constant 0 : i32
    %dma_wait3A_73 = tpu.memref_slice %arg4[%add3A, %dma_wait3A_71, %dma_wait3A_72] : memref<32x1024x512xf32, #tpu.memory_space<hbm>> -> memref<1x1024x512xf32, #tpu.memory_space<hbm>>
    %dma_wait3A_74 = tpu.memref_squeeze %dma_wait3A_73 : memref<1x1024x512xf32, #tpu.memory_space<hbm>> -> memref<1024x512xf32, #tpu.memory_space<hbm>>
    %dma_wait3A_75 = arith.constant 928 : i32
    %dma_wait3A_76 = arith.constant 0 : i32
    %dma_wait3A_77 = tpu.memref_slice %dma_wait3A_74[%dma_wait3A_75, %dma_wait3A_76] : memref<1024x512xf32, #tpu.memory_space<hbm>> -> memref<32x512xf32, #tpu.memory_space<hbm>>
    %dma_wait3A_78 = arith.constant 0 : i32
    %dma_wait3A_79 = arith.constant 0 : i32
    %dma_wait3A_80 = tpu.memref_slice %arg6[%dma_wait3A_56, %dma_wait3A_78, %dma_wait3A_79] : memref<4x32x512xf32, #tpu.memory_space<vmem>> -> memref<1x32x512xf32, #tpu.memory_space<vmem>>
    %dma_wait3A_81 = tpu.memref_squeeze %dma_wait3A_80 : memref<1x32x512xf32, #tpu.memory_space<vmem>> -> memref<32x512xf32, #tpu.memory_space<vmem>>
    tpu.wait_dma2 semaphore(%dma_wait3A_70 : memref<!tpu.dma_semaphore, #tpu.memory_space<semaphore_mem>>) src(%dma_wait3A_81 : memref<32x512xf32, #tpu.memory_space<vmem>>) dst(%dma_wait3A_77 : memref<32x512xf32, #tpu.memory_space<hbm>>)
    %dma_wait3A_82 = arith.constant 2 : i32
    %dma_wait3A_83 = arith.constant 2 : i32
    %dma_wait3A_84 = arith.constant 0 : i32
    %dma_wait3A_85 = arith.constant 0 : i32
    %dma_wait3A_86 = tpu.memref_slice %arg6[%dma_wait3A_82, %dma_wait3A_84, %dma_wait3A_85] : memref<4x32x512xf32, #tpu.memory_space<vmem>> -> memref<1x32x512xf32, #tpu.memory_space<vmem>>
    %dma_wait3A_87 = tpu.memref_squeeze %dma_wait3A_86 : memref<1x32x512xf32, #tpu.memory_space<vmem>> -> memref<32x512xf32, #tpu.memory_space<vmem>>
    %dma_wait3A_88 = arith.constant 0 : i32
    %dma_wait3A_89 = arith.constant 0 : i32
    %dma_wait3A_90 = tpu.memref_slice %arg4[%add3A, %dma_wait3A_88, %dma_wait3A_89] : memref<32x1024x512xf32, #tpu.memory_space<hbm>> -> memref<1x1024x512xf32, #tpu.memory_space<hbm>>
    %dma_wait3A_91 = tpu.memref_squeeze %dma_wait3A_90 : memref<1x1024x512xf32, #tpu.memory_space<hbm>> -> memref<1024x512xf32, #tpu.memory_space<hbm>>
    %dma_wait3A_92 = arith.constant 960 : i32
    %dma_wait3A_93 = arith.constant 0 : i32
    %dma_wait3A_94 = tpu.memref_slice %dma_wait3A_91[%dma_wait3A_92, %dma_wait3A_93] : memref<1024x512xf32, #tpu.memory_space<hbm>> -> memref<32x512xf32, #tpu.memory_space<hbm>>
    %dma_wait3A_95 = tpu.memref_slice %arg8[%dma_wait3A_83] : memref<4x!tpu.dma_semaphore, #tpu.memory_space<semaphore_mem>> -> memref<1x!tpu.dma_semaphore, #tpu.memory_space<semaphore_mem>>
    %dma_wait3A_96 = tpu.memref_squeeze %dma_wait3A_95 : memref<1x!tpu.dma_semaphore, #tpu.memory_space<semaphore_mem>> -> memref<!tpu.dma_semaphore, #tpu.memory_space<semaphore_mem>>
    %dma_wait3A_97 = arith.constant 0 : i32
    %dma_wait3A_98 = arith.constant 0 : i32
    %dma_wait3A_99 = tpu.memref_slice %arg4[%add3A, %dma_wait3A_97, %dma_wait3A_98] : memref<32x1024x512xf32, #tpu.memory_space<hbm>> -> memref<1x1024x512xf32, #tpu.memory_space<hbm>>
    %dma_wait3A_100 = tpu.memref_squeeze %dma_wait3A_99 : memref<1x1024x512xf32, #tpu.memory_space<hbm>> -> memref<1024x512xf32, #tpu.memory_space<hbm>>
    %dma_wait3A_101 = arith.constant 960 : i32
    %dma_wait3A_102 = arith.constant 0 : i32
    %dma_wait3A_103 = tpu.memref_slice %dma_wait3A_100[%dma_wait3A_101, %dma_wait3A_102] : memref<1024x512xf32, #tpu.memory_space<hbm>> -> memref<32x512xf32, #tpu.memory_space<hbm>>
    %dma_wait3A_104 = arith.constant 0 : i32
    %dma_wait3A_105 = arith.constant 0 : i32
    %dma_wait3A_106 = tpu.memref_slice %arg6[%dma_wait3A_82, %dma_wait3A_104, %dma_wait3A_105] : memref<4x32x512xf32, #tpu.memory_space<vmem>> -> memref<1x32x512xf32, #tpu.memory_space<vmem>>
    %dma_wait3A_107 = tpu.memref_squeeze %dma_wait3A_106 : memref<1x32x512xf32, #tpu.memory_space<vmem>> -> memref<32x512xf32, #tpu.memory_space<vmem>>
    tpu.wait_dma2 semaphore(%dma_wait3A_96 : memref<!tpu.dma_semaphore, #tpu.memory_space<semaphore_mem>>) src(%dma_wait3A_107 : memref<32x512xf32, #tpu.memory_space<vmem>>) dst(%dma_wait3A_103 : memref<32x512xf32, #tpu.memory_space<hbm>>)
    %dma_wait3A_108 = arith.constant 3 : i32
    %dma_wait3A_109 = arith.constant 3 : i32
    %dma_wait3A_110 = arith.constant 0 : i32
    %dma_wait3A_111 = arith.constant 0 : i32
    %dma_wait3A_112 = tpu.memref_slice %arg6[%dma_wait3A_108, %dma_wait3A_110, %dma_wait3A_111] : memref<4x32x512xf32, #tpu.memory_space<vmem>> -> memref<1x32x512xf32, #tpu.memory_space<vmem>>
    %dma_wait3A_113 = tpu.memref_squeeze %dma_wait3A_112 : memref<1x32x512xf32, #tpu.memory_space<vmem>> -> memref<32x512xf32, #tpu.memory_space<vmem>>
    %dma_wait3A_114 = arith.constant 0 : i32
    %dma_wait3A_115 = arith.constant 0 : i32
    %dma_wait3A_116 = tpu.memref_slice %arg4[%add3A, %dma_wait3A_114, %dma_wait3A_115] : memref<32x1024x512xf32, #tpu.memory_space<hbm>> -> memref<1x1024x512xf32, #tpu.memory_space<hbm>>
    %dma_wait3A_117 = tpu.memref_squeeze %dma_wait3A_116 : memref<1x1024x512xf32, #tpu.memory_space<hbm>> -> memref<1024x512xf32, #tpu.memory_space<hbm>>
    %dma_wait3A_118 = arith.constant 992 : i32
    %dma_wait3A_119 = arith.constant 0 : i32
    %dma_wait3A_120 = tpu.memref_slice %dma_wait3A_117[%dma_wait3A_118, %dma_wait3A_119] : memref<1024x512xf32, #tpu.memory_space<hbm>> -> memref<32x512xf32, #tpu.memory_space<hbm>>
    %dma_wait3A_121 = tpu.memref_slice %arg8[%dma_wait3A_109] : memref<4x!tpu.dma_semaphore, #tpu.memory_space<semaphore_mem>> -> memref<1x!tpu.dma_semaphore, #tpu.memory_space<semaphore_mem>>
    %dma_wait3A_122 = tpu.memref_squeeze %dma_wait3A_121 : memref<1x!tpu.dma_semaphore, #tpu.memory_space<semaphore_mem>> -> memref<!tpu.dma_semaphore, #tpu.memory_space<semaphore_mem>>
    %dma_wait3A_123 = arith.constant 0 : i32
    %dma_wait3A_124 = arith.constant 0 : i32
    %dma_wait3A_125 = tpu.memref_slice %arg4[%add3A, %dma_wait3A_123, %dma_wait3A_124] : memref<32x1024x512xf32, #tpu.memory_space<hbm>> -> memref<1x1024x512xf32, #tpu.memory_space<hbm>>
    %dma_wait3A_126 = tpu.memref_squeeze %dma_wait3A_125 : memref<1x1024x512xf32, #tpu.memory_space<hbm>> -> memref<1024x512xf32, #tpu.memory_space<hbm>>
    %dma_wait3A_127 = arith.constant 992 : i32
    %dma_wait3A_128 = arith.constant 0 : i32
    %dma_wait3A_129 = tpu.memref_slice %dma_wait3A_126[%dma_wait3A_127, %dma_wait3A_128] : memref<1024x512xf32, #tpu.memory_space<hbm>> -> memref<32x512xf32, #tpu.memory_space<hbm>>
    %dma_wait3A_130 = arith.constant 0 : i32
    %dma_wait3A_131 = arith.constant 0 : i32
    %dma_wait3A_132 = tpu.memref_slice %arg6[%dma_wait3A_108, %dma_wait3A_130, %dma_wait3A_131] : memref<4x32x512xf32, #tpu.memory_space<vmem>> -> memref<1x32x512xf32, #tpu.memory_space<vmem>>
    %dma_wait3A_133 = tpu.memref_squeeze %dma_wait3A_132 : memref<1x32x512xf32, #tpu.memory_space<vmem>> -> memref<32x512xf32, #tpu.memory_space<vmem>>
    tpu.wait_dma2 semaphore(%dma_wait3A_122 : memref<!tpu.dma_semaphore, #tpu.memory_space<semaphore_mem>>) src(%dma_wait3A_133 : memref<32x512xf32, #tpu.memory_space<vmem>>) dst(%dma_wait3A_129 : memref<32x512xf32, #tpu.memory_space<hbm>>)
    return
  }
}

</mosaic_0001>

<sc_bundles>
// kernel: kernel.3.cloned.1.call-start
scs
__scs_entry_jumppad:
0x0: {  	(pc) =	sbr.rel $0x88, $3  }
0x1: {  	(tag) =	ssettag $0x0;
	lr =	simm.s32 $0x1  }
0x2: {  	[smem:$0x3F9F] =	sst lr;
	_ =	strace $0xD0000000  }
0x3: {  	_ = 	snop  }
0x4: {  	_ = 	snop  }
0x5: {  	_ = 	snop  }
0x6: {  	_ = 	snop  }
0x7: {  	_ = 	snop  }
__scs_overlays_trampoline_lowered:
0x8: {  	[smem:$0x3FAE] =	sst s0  }
0x9: {  	[smem:$0x3FAF] =	sst s1  }
0xa: {  	[smem:$0x3FB0] =	sst s2  }
0xb: {  	[smem:$0x3FB1] =	sst s3  }
0xc: {  	[smem:$0x3FB2] =	sst s4  }
0xd: {  	[smem:$0x3FB3] =	sst s5  }
0xe: {  	[smem:$0x3FB4] =	sst s6  }
0xf: {  	[smem:$0x3FB5] =	sst s7  }
0x10: {  	[smem:$0x3FB6] =	sst s8  }
0x11: {  	[smem:$0x3FB7] =	sst s9;
	s0 =	simm.s32 @!p0 $0x0  }
0x12: {  	s1 =	sld [smem:$0x3F9D];
	s0 =	simm.s32 @p0 $0x1  }
0x13: {  	[smem:$0x3FB8] =	sst s0;
	s0 =	simm.s32 @!p1 $0x0  }
0x14: {  	s2 =	sld [smem:$0x3F9C];
	s0 =	simm.s32 @p1 $0x1  }
0x15: {  	[smem:$0x3FB9] =	sst s0;
	s0 =	simm.s32 @!p2 $0x0  }
0x16: {  	s3 =	sld [smem:$0x3FDB];
	s0 =	simm.s32 @p2 $0x1  }
0x17: {  	s4 =	simm.s32 $0x1BF5;
	[smem:$0x3FBB] =	sst s0  }
0x18: {  	s0 =	sld [smem:$0x3F9E];
	_ =	swait.ge [sflag:s4], $0x0  }
0x19: {  	s7 =	sld [smem:$0x3F9F]  }
0x1a: {  	s8 =	sadd.s32 $0xFFFFE003, lr  }
0x1b: {  	s9 =	sadd.s32 $0xFFFFFEF7, lr;
	s5 =	simm.s32 $0xFFFFFFFF;
	p2 =	slt.u32 s8, $0xFFFFF086  }
0x1c: {  	p1 =	slt.u32 s9, $0xF7A;
	s5 =	simm.s32 @!p2 $0x0  }
0x1d: {  	s5 =	simm.s32 @p1 $0x1;
	p0 =	seq.s32 s7, s2  }
0x1e: {  	s7 =	smul.u32 @!p0 $0xF7A, s2;
	p2 =	seq.s32 @!p0 s5, $0x0  }
0x1f: {  	s9 =	smul.u32 $0xF7A, s1;
	s8 =	simm.s32 @!p0 $0x1BF5;
	p2 =	por !p2, p0  }
0x20: {  	[sflag:s8] =	ssyncset.s32 @!p0 $0xFFFFF086;
	s6 =	sadd.s32 @!p0 s3, s7;
	s7 =	simm.s32 @!p0 $0x108  }
0x21: {  	s3 =	sadd.s32 s3, s9;
	s6 =	sadd.s32 @!p0 $0x88, s6;
	s7 =	simm.s32 @p2 $0x1082  }
0x22: {  	[simem:s7], [sflag:s8] =	dma.local @!p0 [hbm:s6], $0xF7A  }
0x23: {  	s9 =	sor.u32 $0xD0000000, s2;
	s6 =	simm.s32 $0x108;
	_ =	swait.ge @!p0 [sflag:s8], $0x0  }
0x24: {  	s3 =	sadd.s32 $0x88, s3;
	s6 =	simm.s32 @!p1 $0x1082;
	[sflag:s4] =	ssyncset.s32 $0xFFFFF086  }
0x25: {  	[simem:s6], [sflag:s4] =	dma.local [hbm:s3], $0xF7A  }
0x26: {  	[smem:$0x3F9F] =	sst s1;
	(tag) =	ssettag s2;
	_ =	strace s9  }
0x27: {  	s1 =	sld [smem:$0x3FAF]  }
0x28: {  	s2 =	sld [smem:$0x3FB0]  }
0x29: {  	s4 =	sld [smem:$0x3FB2]  }
0x2a: {  	p0 =	seq.s32 s5, $0x0;
	s5 =	sld [smem:$0x3FB3]  }
0x2b: {  	s6 =	sld [smem:$0x3FB4]  }
0x2c: {  	s7 =	sld [smem:$0x3FB5]  }
0x2d: {  	s3 =	simm.s32 $0x108;
	s8 =	sld [smem:$0x3FB6]  }
0x2e: {  	s3 =	simm.s32 @!p0 $0x1082;
	s9 =	sld [smem:$0x3FB7]  }
0x2f: {  	lr =	sadd.s32 s0, s3;
	s0 =	sld [smem:$0x3FAE]  }
0x30: {  	s3 =	sld [smem:$0x3FB1]  }
0x31: {  	[smem:$0x3FBA] =	sst s10  }
0x32: {  	s10 =	sld [smem:$0x3FB8];
	_ =	sdelay $0x3  }
0x33: {  	p0 =	seq.s32 s10, $0x1;
	s10 =	sld [smem:$0x3FBA];
	_ =	sdelay $0x3  }
0x34: {  	[smem:$0x3FBA] =	sst s10  }
0x35: {  	s10 =	sld [smem:$0x3FB9];
	_ =	sdelay $0x3  }
0x36: {  	p1 =	seq.s32 s10, $0x1;
	s10 =	sld [smem:$0x3FBA];
	_ =	sdelay $0x3  }
0x37: {  	[smem:$0x3FBA] =	sst s10  }
0x38: {  	s10 =	sld [smem:$0x3FBB]  }
0x39: {  	_ = 	snop;
	(pc) =	sbr.ind lr, $3  }
0x3a: {  	_ = 	snop  }
0x3b: {  	_ = 	snop  }
0x3c: {  	p2 =	seq.s32 s10, $0x1;
	s10 =	sld [smem:$0x3FBA]  }
0x3d: {  	_ =	shalt  }
0x3e: {  	_ =	shalt  }
0x3f: {  	_ =	shalt  }
0x40: {  	_ =	shalt  }
0x41: {  	_ =	shalt  }
0x42: {  	_ =	shalt  }
0x43: {  	_ =	shalt  }
0x44: {  	_ =	shalt  }
0x45: {  	_ =	shalt  }
0x46: {  	_ =	shalt  }
0x47: {  	_ =	shalt  }
0x48: {  	_ =	shalt  }
0x49: {  	_ =	shalt  }
0x4a: {  	_ =	shalt  }
0x4b: {  	_ =	shalt  }
0x4c: {  	_ =	shalt  }
0x4d: {  	_ =	shalt  }
0x4e: {  	_ =	shalt  }
0x4f: {  	_ =	shalt  }
0x50: {  	_ =	shalt  }
0x51: {  	_ =	shalt  }
0x52: {  	_ =	shalt  }
0x53: {  	_ =	shalt  }
0x54: {  	_ =	shalt  }
0x55: {  	_ =	shalt  }
0x56: {  	_ =	shalt  }
0x57: {  	_ =	shalt  }
0x58: {  	_ =	shalt  }
0x59: {  	_ =	shalt  }
0x5a: {  	_ =	shalt  }
0x5b: {  	_ =	shalt  }
0x5c: {  	_ =	shalt  }
0x5d: {  	_ =	shalt  }
0x5e: {  	_ =	shalt  }
0x5f: {  	_ =	shalt  }
0x60: {  	_ =	shalt  }
0x61: {  	_ =	shalt  }
0x62: {  	_ =	shalt  }
0x63: {  	_ =	shalt  }
0x64: {  	_ =	shalt  }
0x65: {  	_ =	shalt  }
0x66: {  	_ =	shalt  }
0x67: {  	_ =	shalt  }
0x68: {  	_ =	shalt  }
0x69: {  	_ =	shalt  }
0x6a: {  	_ =	shalt  }
0x6b: {  	_ =	shalt  }
0x6c: {  	_ =	shalt  }
0x6d: {  	_ =	shalt  }
0x6e: {  	_ =	shalt  }
0x6f: {  	_ =	shalt  }
0x70: {  	_ =	shalt  }
0x71: {  	_ =	shalt  }
0x72: {  	_ =	shalt  }
0x73: {  	_ =	shalt  }
0x74: {  	_ =	shalt  }
0x75: {  	_ =	shalt  }
0x76: {  	_ =	shalt  }
0x77: {  	_ =	shalt  }
0x78: {  	_ =	shalt  }
0x79: {  	_ =	shalt  }
0x7a: {  	_ =	shalt  }
0x7b: {  	_ =	shalt  }
0x7c: {  	_ =	shalt  }
0x7d: {  	_ =	shalt  }
0x7e: {  	_ =	shalt  }
0x7f: {  	_ =	shalt  }
0x80: {  	_ =	shalt  }
0x81: {  	_ =	shalt  }
0x82: {  	_ =	shalt  }
0x83: {  	_ =	shalt  }
0x84: {  	_ =	shalt  }
0x85: {  	_ =	shalt  }
0x86: {  	_ =	shalt  }
0x87: {  	_ =	shalt  }
.Lfunc_end0:
.L_simem_size_0:
called_computation_lowered:
.L_overlay_start_0:
0x88: {  	s2 =	sld [smem:$0x3FD9]  }
0x89: {  	s3 =	sld [smem:$0x3FFE];
	_ =	sdelay $0x1  }
0x8a: {  	s1 =	srdreg.scid  }
0x8b: {  	s0 =	sand.u32 $0x1, s1  }
0x8c: {  	s18 =	sshll.u32 s0, $0xA;
	s2 =	sadd.s32 s3, s2  }
0x8d: {  	s2 =	sadd.s32 s2, s18  }
0x8e: {  	[smem:$0x3FC6] =	sst s2  }
0x8f: {  	_ = 	snop  }
0x90: {  	s2 =	sld [smem:$0x3FC9]  }
0x91: {  	s19 =	sld [smem:$0x3FC8]  }
0x92: {  	s4 =	sld [smem:$0x3FD0];
	(tm) =	ssettm $0x1  }
0x93: {  	s5 =	sld [smem:$0x3FFB];
	_ =	sdelay $0x3  }
0x94: {  	_ =	strace s5  }
0x95: {  	s5 =	sld [smem:$0x3FFC];
	_ =	sdelay $0x3  }
0x96: {  	_ =	strace s5  }
0x97: {  	s5 =	sld [smem:$0x3FFD];
	_ =	sdelay $0x3  }
0x98: {  	_ =	strace s5  }
0x99: {  	_ =	strace $0x8FFFFFFF  }
0x9a: {  	s20 =	sld [smem:$0x3FDB];
	_ =	sdelay $0x1  }
0x9b: {  	s6 =	simm.s32 $_scs_section_size  }
0x9c: {  	s7 =	simm.s32 $_size__tile_overlayer_lowered;
	s8 =	simm.s32 $_tile_overlayer_lowered  }
0x9d: {  	s23 =	simm.s32 $0x1BFF;
	s22 =	sshll.u32 s8, $0x1;
	s5 =	sadd.s32 s6, s20  }
0x9e: {  	s9 =	simm.s32 $0x0;
	s21 =	sshll.u32 s7, $0x1;
	s7 =	sadd.s32 s22, s5  }
0x9f: {  	[timem:s9], [sflag:s23] =	dma.local [hbm:s7], s21  }
0xa0: {  	_ =	swait.ge [sflag:s23], s21  }
0xa1: {  	s6 =	ssub.s32 $0x0, s21;
	[sflag:s23] =	ssyncset.done $0x0  }
0xa2: {  	[sflag:s23] =	ssyncadd.s32 s6;
	_ =	sdelay $0x1  }
0xa3: {  	s24 =	simm.s32 $0x1B8B  }
0xa4: {  	_ =	swait.ge [sflag:s24], $0x1  }
0xa5: {  	[sflag:s24] =	ssyncset.done $0x0  }
0xa6: {  	s25 =	simm.s32 $0x1B8E;
	[sflag:s24] =	ssyncadd.s32 $0xFFFFFFFF  }
0xa7: {  	s26 =	simm.s32 $execute0_lowered;
	[smem:$0x3FD2] =	sst s25  }
0xa8: {  	s6 =	sshll.u32 s26, $0x1;
	_ =	strace $0x80000046;
	[dreg:$0x1] =	wrdreg $0xFFFFFFFF  }
0xa9: {  	s28 =	simm.s32 $_size_execute0_lowered;
	s5 =	sadd.s32 s5, s6;
	[dreg:$0x0] =	wrdreg $0x0  }
0xaa: {  	s6 =	sshll.u32 s28, $0x1;
	[dreg:$0x2] =	wrdreg s5  }
0xab: {  	[dreg:$0x3] =	wrdreg s6  }
0xac: {  	[dreg:$0x4] =	wrdreg $0xC0  }
0xad: {  	_ =	task [dreg:s9], $0x5FFFF  }
0xae: {  	[dreg:$0x1] =	wrdreg $0xFFFFFFFF  }
0xaf: {  	[dreg:$0x0] =	wrdreg $0x60  }
0xb0: {  	[dreg:$0x2] =	wrdreg s2  }
0xb1: {  	[dreg:$0x3] =	wrdreg s19  }
0xb2: {  	[dreg:$0x4] =	wrdreg s4  }
0xb3: {  	[dreg:$0x5] =	wrdreg $0x9  }
0xb4: {  	_ =	task.clear_ibuf [dreg:s9], $0x6FFFF;
	_ =	strace $0x90000046  }
0xb5: {  	s29 =	simm.s32 $0x9;
	_ =	strace $0x80000048  }
0xb6: {  	_ =	swait.ge [sflag:s29], $0x1  }
0xb7: {  	[sflag:s29] =	ssyncadd.s32 $0xFFFFFFFF  }
0xb8: {  	_ =	strace $0x90000048  }
0xb9: {  	_ =	sfence  }
0xba: {  	s30 =	sld [smem:$0x0];
	_ =	sdelay $0x2  }
0xbb: {  	s31 =	sshll.u32 s1, $0xD;
	s1 =	sshrl.u32 s1, $0x2  }
0xbc: {  	s3 =	sand.u32 $0x4000, s31;
	s1 =	sadd.s32 s1, s30  }
0xbd: {  	s0 =	sor.u32 s3, s0;
	s1 =	sshll.u32 s1, $0x11  }
0xbe: {  	s0 =	sor.u32 s1, s0  }
0xbf: {  	s0 =	sadd.s32 $0x8F2B, s0  }
0xc0: {  	[sflag:s0] =	ssyncadd.remote.s32 $0x1  }
0xc1: {  	_ =	sfence.sel $0xFFFF  }
0xc2: {  	[dreg:$0x0] =	wrdreg $0xFFFFFFFF;
	(pc) =	sbr.abs _section_cstart, $3  }
0xc3: {  	[dreg:$0x1] =	wrdreg $0xFFFFFFFF  }
0xc4: {  	_ =	task.clear_ibuf [dreg:s9], $0x2FFFF;
	_ =	strace $0x9FFFFFFF  }
0xc5: {  	(tm) =	ssettm $0x7FFFFFFF  }
tec
execute0_lowered:
.L_overlay_start_1:
0x0: {  	(tag) =	ssettag $0x1  }
0x1: {  	s0 =	rddreg [dreg:$0x0]  }
0x2: {  	s1 =	rddreg [dreg:$0x1]  }
0x3: {  	s2 =	rddreg [dreg:$0x2]  }
0x4: {  	s3 =	simm.s32 $0x0;
	s4 =	srdreg.scid;
	s7 =	stileid.u32  }
0x5: {  	s9 =	simm.s32 $0x400;
	s18 =	simm.s32 $0x4400;
	s28 =	simm.s32 $0x8400  }
0x6: {  	s30 =	simm.s32 $0x9400;
	s31 =	simm.s32 $0x9C00;
	s10 =	simm.s32 $0xC400  }
0x7: {  	s11 =	simm.s32 $0xCC00;
	s12 =	simm.s32 $0xD400;
	s13 =	simm.s32 $0xDC00  }
0x8: {  	s14 =	simm.s32 $0xE400;
	s15 =	simm.s32 $0xEC00;
	s16 =	simm.s32 $0xF400  }
0x9: {  	s17 =	simm.s32 $0xFC00;
	s19 =	simm.s32 $0x3;
	s20 =	simm.s32 $0x4  }
0xa: {  	s21 =	simm.s32 $0x5;
	s22 =	simm.s32 $0x6;
	[smem:$0x7FF] =	sst s3  }
0xb: {  	s4 =	sand.u32 $0x1, s4;
	s5 =	sshll.u32 s7, $0x1;
	s23 =	sshll.u32 s7, $0x8  }
0xc: {  	_ =	strace $0x80000047;
	s6 =	ssub.s32 $0x2, s4;
	s4 =	sor.u32 s4, s5  }
0xd: {  	s5 =	sand.u32 $0xC00, s23;
	s24 =	sshrl.u32 s6, $0x1;
	s8 =	sshll.u32 s4, $0x4  }
0xe: {  	s0 =	sadd.s32 s0, s5;
	s5 =	sadd.s32 $0x100, s1;
	s26 =	sshll.u32 s4, $0x10  }
.Ltmp0:
0xf: {  	s4 =	simm.s32 $0xBC00;
	s7 =	ssub.s32 s6, s24;
	(pc) =	sbr.rel .LBB2_1-.Ltmp0, $4  }
0x10: {  	s25 =	sand.u32 $0x70, s8;
	s6 =	sadd.s32 s2, s26;
	s26 =	simm.s32 $0x1  }
0x11: {  	v2 =	vlaneseq.u32;
	s2 =	simm.s32 $0xAC00;
	s8 =	simm.s32 $0xB400;
	s0 =	sadd.s32 s25, s0  }
0x12: {  	vm0 =	vmmov $0xffff;
	v1 =	vshrl.u32 v2, $0x3;
	s29 =	smax.u32 s7, $0x1;
	s7 =	simm.s32 $0x2;
	[dreg:$0x4] =	wrdreg s0  }
0x13: {  	v0 =	vand.u32 $0x7, v2;
	v2 =	vor.u32 $0x8, v2;
	v1 =	vmul.u32 $0x8, v1;
	s25 =	simm.s32 $0x0;
	[dreg:$0x5] =	wrdreg s29;
	s0 =	simm.s32 $0xA400  }
.LBB2_4:
0x14: {  	_ =	swait.ge [sflag:s20], $0x4000  }
0x15: {  	[sflag:s20] =	ssyncset.done $0x0  }
0x16: {  	s23 =	sadd.s32 $0xF800, s6;
	[sflag:s20] =	ssyncadd.s32 $0xFFFFC000  }
0x17: {  	[hbm4b:s23+s3] =	stream.linear.scatter [tilespmem:s10], [sflag:$0x8], $0x4000, $0x38;
	[tilespmem:$0x10400] =	vst v63  }
0x18: {  	_ =	swait.ge [sflag:s21], $0x4000  }
0x19: {  	[sflag:s21] =	ssyncset.done $0x0  }
0x1a: {  	[sflag:s21] =	ssyncadd.s32 $0xFFFFC000  }
0x1b: {  	_ =	swait.ge [sflag:s22], $0x4000  }
0x1c: {  	[sflag:s22] =	ssyncset.done $0x0  }
0x1d: {  	s25 =	simm.s32 $0x7;
	[sflag:s22] =	ssyncadd.s32 $0xFFFFC000  }
0x1e: {  	_ =	swait.ge [sflag:s25], $0x4000  }
0x1f: {  	[sflag:s25] =	ssyncset.done $0x0  }
0x20: {  	s24 =	simm.s32 $0x8;
	[sflag:s25] =	ssyncadd.s32 $0xFFFFC000  }
0x21: {  	_ =	swait.ge [sflag:s24], $0x4000  }
0x22: {  	s25 =	rddreg [dreg:$0x6]  }
0x23: {  	s29 =	rddreg [dreg:$0x5];
	s25 =	sadd.s32 $0x1, s25  }
0x24: {  	p0 =	sne.s32 s25, s29  }
.Ltmp1:
0x25: {  	_ = 	snop;
	(pc) =	sbr.rel @!p0 .LBB2_5-.Ltmp1, $3  }
0x26: {  	_ =	sdelay $0x1  }
0x27: {  	[sflag:s24] =	ssyncset.done $0x0  }
0x28: {  	[sflag:s24] =	ssyncadd.s32 $0xFFFFC000  }
.LBB2_1:
0x29: {  	s23 =	rddreg [dreg:$0x4];
	s24 =	simm.s32 $0x80  }
0x2a: {  	[tilespmem:s3], [sflag:$0x9] =	stream.strided.gather [hbm4b:s23+s24], $0x400, s9, s24, $0x38;
	[tilespmem:$0x10400] =	vst v63  }
0x2b: {  	[dreg:$0x6] =	wrdreg s25;
	s24 =	simm.s32 $0x9  }
0x2c: {  	_ =	swait.ge [sflag:s24], $0x400  }
0x2d: {  	[sflag:s24] =	ssyncset.done $0x0  }
0x2e: {  	[sflag:s24] =	ssyncadd.s32 $0xFFFFFC00  }
0x2f: {  	v3 =	vld [tilespmem:$0x0];
	_ =	sdelay $0x4  }
0x30: {  	v4 =	vshll.u32 v3, $0x2  }
0x31: {  	v3 =	vand.u32 $0x7, v3;
	v4 =	vand.u32 $0xFFFFFFE0, v4  }
0x32: {  	v3 =	vor.u32 v3, v4  }
0x33: {  	v4 =	vperm.xlane v3, v0;
	_ =	sdelay $0x1  }
0x34: {  	v4 =	vadd.s32 v1, v4;
	_ =	sdelay $0x1  }
0x35: {  	v3 =	vperm.xlane v3, v2;
	_ =	sdelay $0x1  }
0x36: {  	v3 =	vadd.s32 v1, v3  }
0x37: {  	[tilespmem:s9], [sflag:$0x1] =	stream.indirect_vreg.gather [hbm4b:s1+s3], $0x80, v4, vm0, $0xb8;
	[tilespmem:$0x10400] =	vst v63  }
0x38: {  	s25 =	simm.s32 $0xC00  }
0x39: {  	[tilespmem:s25], [sflag:$0x1] =	stream.indirect_vreg.gather [hbm4b:s5+s3], $0x80, v4, vm0, $0xb8;
	[tilespmem:$0x10400] =	vst v63  }
0x3a: {  	s29 =	simm.s32 $0x1400  }
0x3b: {  	[tilespmem:s29], [sflag:$0x1] =	stream.indirect_vreg.gather [hbm4b:s1+s3], $0x80, v3, vm0, $0xb8;
	[tilespmem:$0x10400] =	vst v63  }
0x3c: {  	s24 =	simm.s32 $0x1C00  }
0x3d: {  	[tilespmem:s24], [sflag:$0x1] =	stream.indirect_vreg.gather [hbm4b:s5+s3], $0x80, v3, vm0, $0xb8;
	[tilespmem:$0x10400] =	vst v63  }
0x3e: {  	v3 =	vld [tilespmem:$0x10];
	_ =	sdelay $0x4  }
0x3f: {  	v61 =	vshll.u32 v3, $0x2  }
0x40: {  	v3 =	vand.u32 $0x7, v3;
	v4 =	vand.u32 $0xFFFFFFE0, v61  }
0x41: {  	v3 =	vor.u32 v3, v4  }
0x42: {  	v4 =	vperm.xlane v3, v0;
	_ =	sdelay $0x1  }
0x43: {  	v4 =	vadd.s32 v1, v4;
	_ =	sdelay $0x1  }
0x44: {  	v3 =	vperm.xlane v3, v2;
	_ =	sdelay $0x1  }
0x45: {  	s25 =	simm.s32 $0x2400;
	v3 =	vadd.s32 v1, v3  }
0x46: {  	[tilespmem:s25], [sflag:$0x1] =	stream.indirect_vreg.gather [hbm4b:s1+s3], $0x80, v4, vm0, $0xb8;
	[tilespmem:$0x10400] =	vst v63  }
0x47: {  	s29 =	simm.s32 $0x2C00  }
0x48: {  	[tilespmem:s29], [sflag:$0x1] =	stream.indirect_vreg.gather [hbm4b:s5+s3], $0x80, v4, vm0, $0xb8;
	[tilespmem:$0x10400] =	vst v63  }
0x49: {  	s24 =	simm.s32 $0x3400  }
0x4a: {  	[tilespmem:s24], [sflag:$0x1] =	stream.indirect_vreg.gather [hbm4b:s1+s3], $0x80, v3, vm0, $0xb8;
	[tilespmem:$0x10400] =	vst v63  }
0x4b: {  	s25 =	simm.s32 $0x3C00  }
0x4c: {  	[tilespmem:s25], [sflag:$0x1] =	stream.indirect_vreg.gather [hbm4b:s5+s3], $0x80, v3, vm0, $0xb8;
	[tilespmem:$0x10400] =	vst v63  }
0x4d: {  	v3 =	vld [tilespmem:$0x20];
	_ =	sdelay $0x4  }
0x4e: {  	v62 =	vshll.u32 v3, $0x2  }
0x4f: {  	v3 =	vand.u32 $0x7, v3;
	v4 =	vand.u32 $0xFFFFFFE0, v62  }
0x50: {  	v3 =	vor.u32 v3, v4  }
0x51: {  	v4 =	vperm.xlane v3, v0;
	_ =	sdelay $0x1  }
0x52: {  	v4 =	vadd.s32 v1, v4;
	_ =	sdelay $0x1  }
0x53: {  	v3 =	vperm.xlane v3, v2;
	_ =	sdelay $0x1  }
0x54: {  	v3 =	vadd.s32 v1, v3  }
0x55: {  	[tilespmem:s18], [sflag:$0x2] =	stream.indirect_vreg.gather [hbm4b:s1+s3], $0x80, v4, vm0, $0xb8;
	[tilespmem:$0x10400] =	vst v63  }
0x56: {  	s29 =	simm.s32 $0x4C00  }
0x57: {  	[tilespmem:s29], [sflag:$0x2] =	stream.indirect_vreg.gather [hbm4b:s5+s3], $0x80, v4, vm0, $0xb8;
	[tilespmem:$0x10400] =	vst v63  }
0x58: {  	s24 =	simm.s32 $0x5400  }
0x59: {  	[tilespmem:s24], [sflag:$0x2] =	stream.indirect_vreg.gather [hbm4b:s1+s3], $0x80, v3, vm0, $0xb8;
	[tilespmem:$0x10400] =	vst v63  }
0x5a: {  	s25 =	simm.s32 $0x5C00  }
0x5b: {  	[tilespmem:s25], [sflag:$0x2] =	stream.indirect_vreg.gather [hbm4b:s5+s3], $0x80, v3, vm0, $0xb8;
	[tilespmem:$0x10400] =	vst v63  }
0x5c: {  	v3 =	vld [tilespmem:$0x30];
	_ =	sdelay $0x4  }
0x5d: {  	v63 =	vshll.u32 v3, $0x2  }
0x5e: {  	v3 =	vand.u32 $0x7, v3;
	v4 =	vand.u32 $0xFFFFFFE0, v63  }
0x5f: {  	v3 =	vor.u32 v3, v4  }
0x60: {  	v4 =	vperm.xlane v3, v0;
	_ =	sdelay $0x1  }
0x61: {  	v4 =	vadd.s32 v1, v4;
	_ =	sdelay $0x1  }
0x62: {  	v3 =	vperm.xlane v3, v2;
	_ =	sdelay $0x1  }
0x63: {  	s29 =	simm.s32 $0x6400;
	v3 =	vadd.s32 v1, v3  }
0x64: {  	[tilespmem:s29], [sflag:$0x2] =	stream.indirect_vreg.gather [hbm4b:s1+s3], $0x80, v4, vm0, $0xb8;
	[tilespmem:$0x10400] =	vst v63  }
0x65: {  	s24 =	simm.s32 $0x6C00  }
0x66: {  	[tilespmem:s24], [sflag:$0x2] =	stream.indirect_vreg.gather [hbm4b:s5+s3], $0x80, v4, vm0, $0xb8;
	[tilespmem:$0x10400] =	vst v63  }
0x67: {  	s25 =	simm.s32 $0x7400  }
0x68: {  	[tilespmem:s25], [sflag:$0x2] =	stream.indirect_vreg.gather [hbm4b:s1+s3], $0x80, v3, vm0, $0xb8;
	[tilespmem:$0x10400] =	vst v63  }
0x69: {  	s23 =	simm.s32 $0x60;
	s29 =	simm.s32 $0x7C00;
	s24 =	simm.s32 $0x0  }
0x6a: {  	[tilespmem:s29], [sflag:$0x2] =	stream.indirect_vreg.gather [hbm4b:s5+s3], $0x80, v3, vm0, $0xb8;
	[tilespmem:$0x10400] =	vst v63  }
.LBB2_2:
0x6b: {  	_ =	swait.ge [sflag:s26], $0x4000  }
0x6c: {  	p0 =	seq.s32 s24, $0x0;
	[sflag:s26] =	ssyncset.done $0x0  }
0x6d: {  	s25 =	sadd.s32 s24, s6;
	s29 =	simm.s32 @!p0 $0x7;
	[sflag:s26] =	ssyncadd.s32 $0xFFFFC000  }
0x6e: {  	[hbm4b:s25+s3] =	stream.linear.scatter [tilespmem:s9], [sflag:$0x5], $0x4000, $0x38;
	[tilespmem:$0x10400] =	vst v63  }
0x6f: {  	_ =	swait.ge @!p0 [sflag:s29], $0x4000  }
0x70: {  	[sflag:s29] =	ssyncset.done @!p0 $0x0  }
0x71: {  	[sflag:s29] =	ssyncadd.s32 @!p0 $0xFFFFC000  }
0x72: {  	v3 =	vld [tilespmem:s23+$0xFFFFFFE0];
	_ =	sdelay $0x4  }
0x73: {  	v4 =	vshll.u32 v3, $0x2  }
0x74: {  	v3 =	vand.u32 $0x7, v3;
	v4 =	vand.u32 $0xFFFFFFE0, v4  }
0x75: {  	v3 =	vor.u32 v3, v4  }
0x76: {  	v4 =	vperm.xlane v3, v0;
	_ =	sdelay $0x1  }
0x77: {  	v4 =	vadd.s32 v1, v4;
	_ =	sdelay $0x1  }
0x78: {  	v3 =	vperm.xlane v3, v2;
	_ =	sdelay $0x1  }
0x79: {  	v3 =	vadd.s32 v1, v3  }
0x7a: {  	[tilespmem:s28], [sflag:$0x3] =	stream.indirect_vreg.gather [hbm4b:s1+s3], $0x80, v4, vm0, $0xb8;
	[tilespmem:$0x10400] =	vst v63  }
0x7b: {  	s29 =	simm.s32 $0x8C00  }
0x7c: {  	[tilespmem:s29], [sflag:$0x3] =	stream.indirect_vreg.gather [hbm4b:s5+s3], $0x80, v4, vm0, $0xb8;
	[tilespmem:$0x10400] =	vst v63  }
0x7d: {  	_ = 	snop  }
0x7e: {  	[tilespmem:s30], [sflag:$0x3] =	stream.indirect_vreg.gather [hbm4b:s1+s3], $0x80, v3, vm0, $0xb8;
	[tilespmem:$0x10400] =	vst v63  }
0x7f: {  	_ = 	snop  }
0x80: {  	[tilespmem:s31], [sflag:$0x3] =	stream.indirect_vreg.gather [hbm4b:s5+s3], $0x80, v3, vm0, $0xb8;
	[tilespmem:$0x10400] =	vst v63  }
0x81: {  	v3 =	vld [tilespmem:s23+$0xFFFFFFF0];
	_ =	sdelay $0x4  }
0x82: {  	v61 =	vshll.u32 v3, $0x2  }
0x83: {  	v3 =	vand.u32 $0x7, v3;
	v4 =	vand.u32 $0xFFFFFFE0, v61  }
0x84: {  	v3 =	vor.u32 v3, v4  }
0x85: {  	v4 =	vperm.xlane v3, v0;
	_ =	sdelay $0x1  }
0x86: {  	v4 =	vadd.s32 v1, v4;
	_ =	sdelay $0x1  }
0x87: {  	v3 =	vperm.xlane v3, v2;
	_ =	sdelay $0x1  }
0x88: {  	v3 =	vadd.s32 v1, v3  }
0x89: {  	[tilespmem:s0], [sflag:$0x3] =	stream.indirect_vreg.gather [hbm4b:s1+s3], $0x80, v4, vm0, $0xb8;
	[tilespmem:$0x10400] =	vst v63  }
0x8a: {  	_ = 	snop  }
0x8b: {  	[tilespmem:s2], [sflag:$0x3] =	stream.indirect_vreg.gather [hbm4b:s5+s3], $0x80, v4, vm0, $0xb8;
	[tilespmem:$0x10400] =	vst v63  }
0x8c: {  	_ = 	snop  }
0x8d: {  	[tilespmem:s8], [sflag:$0x3] =	stream.indirect_vreg.gather [hbm4b:s1+s3], $0x80, v3, vm0, $0xb8;
	[tilespmem:$0x10400] =	vst v63  }
0x8e: {  	_ = 	snop  }
0x8f: {  	[tilespmem:s4], [sflag:$0x3] =	stream.indirect_vreg.gather [hbm4b:s5+s3], $0x80, v3, vm0, $0xb8;
	[tilespmem:$0x10400] =	vst v63  }
0x90: {  	_ =	swait.ge [sflag:s7], $0x4000  }
0x91: {  	[sflag:s7] =	ssyncset.done $0x0  }
0x92: {  	s29 =	sadd.s32 $0x800, s25;
	[sflag:s7] =	ssyncadd.s32 $0xFFFFC000  }
0x93: {  	[hbm4b:s29+s3] =	stream.linear.scatter [tilespmem:s18], [sflag:$0x6], $0x4000, $0x38;
	[tilespmem:$0x10400] =	vst v63  }
0x94: {  	s29 =	simm.s32 @!p0 $0x8  }
0x95: {  	_ =	swait.ge @!p0 [sflag:s29], $0x4000  }
0x96: {  	[sflag:s29] =	ssyncset.done @!p0 $0x0  }
0x97: {  	[sflag:s29] =	ssyncadd.s32 @!p0 $0xFFFFC000  }
0x98: {  	v3 =	vld [tilespmem:s23+$0x0];
	_ =	sdelay $0x4  }
0x99: {  	v62 =	vshll.u32 v3, $0x2  }
0x9a: {  	v3 =	vand.u32 $0x7, v3;
	v4 =	vand.u32 $0xFFFFFFE0, v62  }
0x9b: {  	v3 =	vor.u32 v3, v4  }
0x9c: {  	v4 =	vperm.xlane v3, v0;
	_ =	sdelay $0x1  }
0x9d: {  	v4 =	vadd.s32 v1, v4;
	_ =	sdelay $0x1  }
0x9e: {  	v3 =	vperm.xlane v3, v2;
	_ =	sdelay $0x1  }
0x9f: {  	v3 =	vadd.s32 v1, v3  }
0xa0: {  	[tilespmem:s10], [sflag:$0x4] =	stream.indirect_vreg.gather [hbm4b:s1+s3], $0x80, v4, vm0, $0xb8;
	[tilespmem:$0x10400] =	vst v63  }
0xa1: {  	_ = 	snop  }
0xa2: {  	[tilespmem:s11], [sflag:$0x4] =	stream.indirect_vreg.gather [hbm4b:s5+s3], $0x80, v4, vm0, $0xb8;
	[tilespmem:$0x10400] =	vst v63  }
0xa3: {  	_ = 	snop  }
0xa4: {  	[tilespmem:s12], [sflag:$0x4] =	stream.indirect_vreg.gather [hbm4b:s1+s3], $0x80, v3, vm0, $0xb8;
	[tilespmem:$0x10400] =	vst v63  }
0xa5: {  	_ = 	snop  }
0xa6: {  	[tilespmem:s13], [sflag:$0x4] =	stream.indirect_vreg.gather [hbm4b:s5+s3], $0x80, v3, vm0, $0xb8;
	[tilespmem:$0x10400] =	vst v63  }
0xa7: {  	v3 =	vld [tilespmem:s23+$0x10];
	_ =	sdelay $0x4  }
0xa8: {  	v63 =	vshll.u32 v3, $0x2  }
0xa9: {  	v3 =	vand.u32 $0x7, v3;
	v4 =	vand.u32 $0xFFFFFFE0, v63  }
0xaa: {  	v3 =	vor.u32 v3, v4  }
0xab: {  	v4 =	vperm.xlane v3, v0;
	_ =	sdelay $0x1  }
0xac: {  	v4 =	vadd.s32 v1, v4;
	_ =	sdelay $0x1  }
0xad: {  	v3 =	vperm.xlane v3, v2;
	_ =	sdelay $0x1  }
0xae: {  	v3 =	vadd.s32 v1, v3  }
0xaf: {  	[tilespmem:s14], [sflag:$0x4] =	stream.indirect_vreg.gather [hbm4b:s1+s3], $0x80, v4, vm0, $0xb8;
	[tilespmem:$0x10400] =	vst v63  }
0xb0: {  	_ = 	snop  }
0xb1: {  	[tilespmem:s15], [sflag:$0x4] =	stream.indirect_vreg.gather [hbm4b:s5+s3], $0x80, v4, vm0, $0xb8;
	[tilespmem:$0x10400] =	vst v63  }
0xb2: {  	_ = 	snop  }
0xb3: {  	[tilespmem:s16], [sflag:$0x4] =	stream.indirect_vreg.gather [hbm4b:s1+s3], $0x80, v3, vm0, $0xb8;
	[tilespmem:$0x10400] =	vst v63  }
0xb4: {  	p0 =	seq.s32 s24, $0xE000  }
0xb5: {  	[tilespmem:s17], [sflag:$0x4] =	stream.indirect_vreg.gather [hbm4b:s5+s3], $0x80, v3, vm0, $0xb8;
	[tilespmem:$0x10400] =	vst v63  }
.Ltmp2:
0xb6: {  	_ = 	snop;
	(pc) =	sbr.rel @p0 .LBB2_4-.Ltmp2, $4  }
0xb7: {  	_ =	swait.ge [sflag:s19], $0x4000  }
0xb8: {  	[sflag:s19] =	ssyncset.done $0x0  }
0xb9: {  	s29 =	sadd.s32 $0x1000, s25;
	[sflag:s19] =	ssyncadd.s32 $0xFFFFC000  }
0xba: {  	[hbm4b:s29+s3] =	stream.linear.scatter [tilespmem:s28], [sflag:$0x7], $0x4000, $0x38;
	[tilespmem:$0x10400] =	vst v63  }
0xbb: {  	_ =	swait.ge [sflag:s21], $0x4000  }
0xbc: {  	[sflag:s21] =	ssyncset.done $0x0  }
0xbd: {  	[sflag:s21] =	ssyncadd.s32 $0xFFFFC000  }
0xbe: {  	v3 =	vld [tilespmem:s23+$0x20];
	_ =	sdelay $0x4  }
0xbf: {  	v4 =	vshll.u32 v3, $0x2  }
0xc0: {  	v3 =	vand.u32 $0x7, v3;
	v4 =	vand.u32 $0xFFFFFFE0, v4  }
0xc1: {  	v3 =	vor.u32 v3, v4  }
0xc2: {  	v4 =	vperm.xlane v3, v0;
	_ =	sdelay $0x1  }
0xc3: {  	v4 =	vadd.s32 v1, v4;
	_ =	sdelay $0x1  }
0xc4: {  	v3 =	vperm.xlane v3, v2;
	_ =	sdelay $0x1  }
0xc5: {  	v3 =	vadd.s32 v1, v3  }
0xc6: {  	[tilespmem:s9], [sflag:$0x1] =	stream.indirect_vreg.gather [hbm4b:s1+s3], $0x80, v4, vm0, $0xb8;
	[tilespmem:$0x10400] =	vst v63  }
0xc7: {  	s29 =	simm.s32 $0xC00  }
0xc8: {  	[tilespmem:s29], [sflag:$0x1] =	stream.indirect_vreg.gather [hbm4b:s5+s3], $0x80, v4, vm0, $0xb8;
	[tilespmem:$0x10400] =	vst v63  }
0xc9: {  	s29 =	simm.s32 $0x1400  }
0xca: {  	[tilespmem:s29], [sflag:$0x1] =	stream.indirect_vreg.gather [hbm4b:s1+s3], $0x80, v3, vm0, $0xb8;
	[tilespmem:$0x10400] =	vst v63  }
0xcb: {  	s29 =	simm.s32 $0x1C00  }
0xcc: {  	[tilespmem:s29], [sflag:$0x1] =	stream.indirect_vreg.gather [hbm4b:s5+s3], $0x80, v3, vm0, $0xb8;
	[tilespmem:$0x10400] =	vst v63  }
0xcd: {  	v3 =	vld [tilespmem:s23+$0x30];
	_ =	sdelay $0x4  }
0xce: {  	v61 =	vshll.u32 v3, $0x2  }
0xcf: {  	v3 =	vand.u32 $0x7, v3;
	v4 =	vand.u32 $0xFFFFFFE0, v61  }
0xd0: {  	v3 =	vor.u32 v3, v4  }
0xd1: {  	v4 =	vperm.xlane v3, v0;
	_ =	sdelay $0x1  }
0xd2: {  	v4 =	vadd.s32 v1, v4;
	_ =	sdelay $0x1  }
0xd3: {  	v3 =	vperm.xlane v3, v2;
	_ =	sdelay $0x1  }
0xd4: {  	s29 =	simm.s32 $0x2400;
	v3 =	vadd.s32 v1, v3  }
0xd5: {  	[tilespmem:s29], [sflag:$0x1] =	stream.indirect_vreg.gather [hbm4b:s1+s3], $0x80, v4, vm0, $0xb8;
	[tilespmem:$0x10400] =	vst v63  }
0xd6: {  	s29 =	simm.s32 $0x2C00  }
0xd7: {  	[tilespmem:s29], [sflag:$0x1] =	stream.indirect_vreg.gather [hbm4b:s5+s3], $0x80, v4, vm0, $0xb8;
	[tilespmem:$0x10400] =	vst v63  }
0xd8: {  	s29 =	simm.s32 $0x3400  }
0xd9: {  	[tilespmem:s29], [sflag:$0x1] =	stream.indirect_vreg.gather [hbm4b:s1+s3], $0x80, v3, vm0, $0xb8;
	[tilespmem:$0x10400] =	vst v63  }
0xda: {  	s29 =	simm.s32 $0x3C00  }
0xdb: {  	[tilespmem:s29], [sflag:$0x1] =	stream.indirect_vreg.gather [hbm4b:s5+s3], $0x80, v3, vm0, $0xb8;
	[tilespmem:$0x10400] =	vst v63  }
0xdc: {  	_ =	swait.ge [sflag:s20], $0x4000  }
0xdd: {  	[sflag:s20] =	ssyncset.done $0x0  }
0xde: {  	s25 =	sadd.s32 $0x1800, s25;
	[sflag:s20] =	ssyncadd.s32 $0xFFFFC000  }
0xdf: {  	[hbm4b:s25+s3] =	stream.linear.scatter [tilespmem:s10], [sflag:$0x8], $0x4000, $0x38;
	[tilespmem:$0x10400] =	vst v63  }
0xe0: {  	_ =	swait.ge [sflag:s22], $0x4000  }
0xe1: {  	[sflag:s22] =	ssyncset.done $0x0  }
0xe2: {  	[sflag:s22] =	ssyncadd.s32 $0xFFFFC000  }
0xe3: {  	v3 =	vld [tilespmem:s23+$0x40];
	_ =	sdelay $0x4  }
0xe4: {  	v62 =	vshll.u32 v3, $0x2  }
0xe5: {  	v3 =	vand.u32 $0x7, v3;
	v4 =	vand.u32 $0xFFFFFFE0, v62  }
0xe6: {  	v3 =	vor.u32 v3, v4  }
0xe7: {  	v4 =	vperm.xlane v3, v0;
	_ =	sdelay $0x1  }
0xe8: {  	v4 =	vadd.s32 v1, v4;
	_ =	sdelay $0x1  }
0xe9: {  	v3 =	vperm.xlane v3, v2;
	_ =	sdelay $0x1  }
0xea: {  	v3 =	vadd.s32 v1, v3  }
0xeb: {  	[tilespmem:s18], [sflag:$0x2] =	stream.indirect_vreg.gather [hbm4b:s1+s3], $0x80, v4, vm0, $0xb8;
	[tilespmem:$0x10400] =	vst v63  }
0xec: {  	s29 =	simm.s32 $0x4C00  }
0xed: {  	[tilespmem:s29], [sflag:$0x2] =	stream.indirect_vreg.gather [hbm4b:s5+s3], $0x80, v4, vm0, $0xb8;
	[tilespmem:$0x10400] =	vst v63  }
0xee: {  	s29 =	simm.s32 $0x5400  }
0xef: {  	[tilespmem:s29], [sflag:$0x2] =	stream.indirect_vreg.gather [hbm4b:s1+s3], $0x80, v3, vm0, $0xb8;
	[tilespmem:$0x10400] =	vst v63  }
0xf0: {  	s29 =	simm.s32 $0x5C00  }
0xf1: {  	[tilespmem:s29], [sflag:$0x2] =	stream.indirect_vreg.gather [hbm4b:s5+s3], $0x80, v3, vm0, $0xb8;
	[tilespmem:$0x10400] =	vst v63  }
0xf2: {  	v3 =	vld [tilespmem:s23+$0x50];
	_ =	sdelay $0x4  }
0xf3: {  	v63 =	vshll.u32 v3, $0x2  }
0xf4: {  	v3 =	vand.u32 $0x7, v3;
	v4 =	vand.u32 $0xFFFFFFE0, v63  }
0xf5: {  	v3 =	vor.u32 v3, v4  }
0xf6: {  	v4 =	vperm.xlane v3, v0;
	_ =	sdelay $0x1  }
0xf7: {  	v4 =	vadd.s32 v1, v4;
	_ =	sdelay $0x2  }
0xf8: {  	v3 =	vperm.xlane v3, v2  }
0xf9: {  	s29 =	simm.s32 $0x6400  }
0xfa: {  	v3 =	vadd.s32 v1, v3;
	[tilespmem:s29], [sflag:$0x2] =	stream.indirect_vreg.gather [hbm4b:s1+s3], $0x80, v4, vm0, $0xb8;
	[tilespmem:$0x10400] =	vst v63  }
0xfb: {  	s29 =	simm.s32 $0x6C00  }
0xfc: {  	[tilespmem:s29], [sflag:$0x2] =	stream.indirect_vreg.gather [hbm4b:s5+s3], $0x80, v4, vm0, $0xb8;
	[tilespmem:$0x10400] =	vst v63  }
.Ltmp3:
0xfd: {  	_ = 	snop;
	(pc) =	sbr.rel .LBB2_2-.Ltmp3, $4  }
0xfe: {  	s29 =	simm.s32 $0x7400  }
0xff: {  	[tilespmem:s29], [sflag:$0x2] =	stream.indirect_vreg.gather [hbm4b:s1+s3], $0x80, v3, vm0, $0xb8;
	[tilespmem:$0x10400] =	vst v63  }
0x100: {  	s24 =	sadd.s32 $0x2000, s24;
	s23 =	sadd.s32 $0x80, s23;
	s29 =	simm.s32 $0x7C00  }
0x101: {  	[tilespmem:s29], [sflag:$0x2] =	stream.indirect_vreg.gather [hbm4b:s5+s3], $0x80, v3, vm0, $0xb8;
	[tilespmem:$0x10400] =	vst v63  }
.LBB2_5:
0x102: {  	_ =	sfence.sel $0x180000  }
0x103: {  	[bflag:$0x0] =	sbarrier.arrive $0xFFFF  }
0x104: {  	_ =	strace $0x90000047  }
0x105: {  	s0 =	stileid.u32;
	[bflag:$0x2] =	sbarrier.arrive $0xFFFF  }
0x106: {  	p0 =	sne.s32 s0, $0x0;
	s0 =	rddreg [dreg:$0x3]  }
0x107: {  	s0 =	sadd.s32 @!p0 $0x100000, s0  }
0x108: {  	[sflag:s0] =	ssyncadd.tile.s32 @!p0 $0x1;
	_ =	shalt  }
.Lfunc_end2:
_tile_overlayer_lowered:
.L_overlay_start_2:
0x109: {  	(tag) =	ssettag $0x2  }
0x10a: {  	s0 =	rddreg [dreg:$0x0];
	s2 =	stileid.u32  }
0x10b: {  	s1 =	rddreg [dreg:$0x1];
	p0 =	sne.s32 s2, $0x0  }
0x10c: {  	s3 =	rddreg [dreg:$0x2];
	[bflag:$0x3] =	sbarrier.arrive $0xFFFF;
	s2 =	simm.s32 @!p0 $0x1C09  }
0x10d: {  	[timem:s3], [sflag:s2] =	dma.local @!p0 [hbm:s0], s1  }
0x10e: {  	s0 =	simm.s32 @!p0 $0x9  }
0x10f: {  	_ =	swait.ge @!p0 [sflag:s0], s1  }
0x110: {  	s1 =	ssub.s32 @!p0 $0x0, s1;
	[sflag:s0] =	ssyncset.done @!p0 $0x0  }
0x111: {  	[sflag:s0] =	ssyncadd.s32 @!p0 s1  }
0x112: {  	[bflag:$0x3] =	sbarrier.arrive $0xFFFF  }
0x113: {  	_ =	shalt  }

</sc_bundles>
